<compile_context>
chip_gen: v7x
topology: tpu7x:2x2x1
jax: 0.10.2.dev20260603
libtpu: 0.0.44.dev20260713+nightly
codegen_flags: <defaults>
</compile_context>

<pallas_src>
import functools

import jax
import jax.numpy as jnp
from jax import lax
from jax.experimental import pallas as pl
from jax.experimental.pallas import tpu as pltpu
from jax.experimental.pallas import tpu_sc as plsc

B = 16384
D = 64
NW = 32
ROWS_PER_W = B // NW
CHUNK = 128
CHUNKS_PER_W = ROWS_PER_W // CHUNK
IDX_ROWS = B // CHUNK
V = 100000
DOT_W = 100096
NSTEP = 8




def _tc_dots_body(siT, tiT, ws2C, wt2C, out, accS, accT):
  pid = pl.program_id(0)

  @pl.when(pid == 0)
  def _init():
    accS[...] = jnp.zeros_like(accS)
    accT[...] = jnp.zeros_like(accT)

  accS[...] += siT[...] * ws2C[pl.ds(pid * 8, 8), :]
  accT[...] += tiT[...] * wt2C[pl.ds(pid * 8, 8), :]

  @pl.when(pid == NSTEP - 1)
  def _fin():
    out[0:1, pl.ds(0, V)] = jnp.sum(accS[...], axis=0, keepdims=True)
    out[1:2, pl.ds(0, V)] = jnp.sum(accT[...], axis=0, keepdims=True)


def _tc_dots(siT, tiT, ws2C, wt2C):
  full = lambda a: pl.BlockSpec(a.shape, lambda i: (0,) * a.ndim)
  return pl.pallas_call(
      _tc_dots_body,
      grid=(NSTEP,),
      in_specs=[pl.BlockSpec((8, V), lambda i: (i, 0))] * 2
      + [full(ws2C), full(wt2C)],
      out_specs=pl.BlockSpec((8, DOT_W), lambda i: (0, 0)),
      out_shape=jax.ShapeDtypeStruct((8, DOT_W), jnp.float32),
      scratch_shapes=[pltpu.VMEM((8, V), jnp.float32)] * 2,
  )(siT, tiT, ws2C, wt2C)




def _sc_mesh_kernel(body, out_types, scratch_types):
  mesh = plsc.VectorSubcoreMesh(core_axis_name="c", subcore_axis_name="s")
  return functools.partial(
      pl.kernel,
      mesh=mesh,
      compiler_params=pltpu.CompilerParams(use_tc_tiling_on_sc=False),
      out_type=out_types,
      scratch_types=scratch_types + [pltpu.SemaphoreType.DMA],
  )(body)


def _sc_dots_body(dots, i_sp, i_sn, i_tp, i_tn, o_d, idx_v, val_v, sem):
  wid = lax.axis_index("s") * 2 + lax.axis_index("c")
  base = wid * CHUNKS_PER_W
  row0 = wid * ROWS_PER_W
  for r, (src_row, idx) in enumerate(((0, i_sp), (0, i_sn),
                                      (1, i_tp), (1, i_tn))):
    pltpu.sync_copy(idx.at[pl.ds(base, CHUNKS_PER_W), :], idx_v)
    copies = [
        pltpu.async_copy(dots.at[src_row].at[idx_v.at[j]],
                         val_v.at[pl.ds(j * CHUNK, CHUNK)], sem)
        for j in range(CHUNKS_PER_W)
    ]
    for c in copies:
      c.wait()
    pltpu.sync_copy(val_v, o_d.at[r, pl.ds(row0, ROWS_PER_W)])


def _sc_dots(dots8, i_sp, i_sn, i_tp, i_tn):
  k = _sc_mesh_kernel(
      _sc_dots_body,
      [jax.ShapeDtypeStruct((8, B), jnp.float32)],
      [pltpu.VMEM((CHUNKS_PER_W, CHUNK), jnp.int32),
       pltpu.VMEM((ROWS_PER_W,), jnp.float32)])
  return k(dots8, i_sp, i_sn, i_tp, i_tn)


def _user_gather_body(tab, idx, out, col, idx_v, rows_v, sem):
  wid = lax.axis_index("s") * 2 + lax.axis_index("c")
  base = wid * CHUNKS_PER_W
  row0 = wid * ROWS_PER_W
  pltpu.sync_copy(idx.at[pl.ds(base, CHUNKS_PER_W), :], idx_v)
  copies = [
      pltpu.async_copy(tab.at[idx_v.at[j]],
                       rows_v.at[pl.ds(j * CHUNK, CHUNK), :], sem)
      for j in range(CHUNKS_PER_W)
  ]
  for c in copies:
    c.wait()
  pltpu.sync_copy(rows_v, out.at[pl.ds(row0, ROWS_PER_W), pl.ds(col, D)])


def _sc_su_body(su_t, i_su, o_u, idx_v, rows_v, sem):
  _user_gather_body(su_t, i_su, o_u, 0, idx_v, rows_v, sem)


def _sc_tu_body(tu_t, i_tu, o_u, idx_v, rows_v, sem):
  _user_gather_body(tu_t, i_tu, o_u, D, idx_v, rows_v, sem)


def _sc_user(body, tab, idx):
  k = _sc_mesh_kernel(
      body,
      [jax.ShapeDtypeStruct((B, 2 * D), jnp.float32)],
      [pltpu.VMEM((CHUNKS_PER_W, CHUNK), jnp.int32),
       pltpu.VMEM((ROWS_PER_W, D), jnp.float32)])
  return k(tab, idx)




BLK = 2048


def _tc_body(us, ut, dots, wdanT, bdanC, wencT, bencC, wdecT, bdecC,
             w_user, bvec, out):
  dn = (((1,), (0,)), ((), ()))
  dt = (((1,), (1,)), ((), ()))
  dot = functools.partial(lax.dot_general,
                          preferred_element_type=jnp.float32)
  su = us[:, :D]
  tu = ut[:, D:]
  sdiT = jnp.maximum(dot(wdanT[...], su, dt) + bdanC[...], 0.0)
  tdiT = jnp.maximum(dot(wdanT[...], tu, dt) + bdanC[...], 0.0)
  scdT = dot(wdecT[...],
             jnp.maximum(dot(wencT[...], sdiT, dn) + bencC[...], 0.0),
             dn) + bdecC[...]
  tcdT = dot(wdecT[...],
             jnp.maximum(dot(wencT[...], tdiT, dn) + bencC[...], 0.0),
             dn) + bdecC[...]
  ustack = jnp.concatenate([sdiT, scdT, tdiT, tcdT], axis=0)
  uh = dot(w_user[...], ustack, dn)
  a_s, c_s, a_t, c_t = uh[0:1], uh[1:2], uh[2:3], uh[3:4]
  d = dots[...]
  p_s, n_s, p_t, n_t = d[0:1], d[1:2], d[2:3], d[3:4]
  bs = bvec[0, 0]
  bt = bvec[0, 1]
  out[...] = jnp.concatenate(
      [a_s + p_s + bs, a_t + p_t + bt,
       a_s + n_s + bs, a_t + n_t + bt,
       c_s + p_s + bs, c_s + n_s + bs,
       c_t + p_t + bt, c_t + n_t + bt], axis=0)


def _tc_heads(us, ut, dots, wdanT, bdanC, wencT, bencC, wdecT, bdecC,
              w_user, bvec):
  row_spec = pl.BlockSpec((BLK, 2 * D), lambda i: (i, 0))
  full = lambda a: pl.BlockSpec(a.shape, lambda i: (0,) * a.ndim)
  return pl.pallas_call(
      _tc_body,
      grid=(B // BLK,),
      in_specs=[row_spec] * 2 + [pl.BlockSpec((8, BLK), lambda i: (0, i))]
      + [full(w) for w in (wdanT, bdanC, wencT, bencC, wdecT, bdecC,
                           w_user, bvec)],
      out_specs=pl.BlockSpec((8, BLK), lambda i: (0, i)),
      out_shape=jax.ShapeDtypeStruct((8, B), jnp.float32),
  )(us, ut, dots, wdanT, bdanC, wencT, bencC, wdecT, bdecC, w_user, bvec)


def kernel(SInterBatch, TInterBatch, SUserTable, TUserTable, SItemTable,
           TItemTable, W_dan, b_dan, W_srec, b_srec, W_trec, b_trec,
           W_enc, b_enc, W_dec, b_dec):
  idx = lambda a: a.astype(jnp.int32).reshape(IDX_ROWS, CHUNK)

  dots8 = _tc_dots(SItemTable.T, TItemTable.T, W_srec[32:], W_trec[32:])
  dots = _sc_dots(dots8,
                  idx(SInterBatch[1]), idx(SInterBatch[2]),
                  idx(TInterBatch[1]), idx(TInterBatch[2]))
  (us,) = _sc_user(_sc_su_body, SUserTable, idx(SInterBatch[0]))
  (ut,) = _sc_user(_sc_tu_body, TUserTable, idx(TInterBatch[0]))

  z32 = jnp.zeros((1, 32), jnp.float32)
  ws1T, wt1T = W_srec[:32].T, W_trec[:32].T
  w_user = jnp.concatenate([
      jnp.concatenate([ws1T, z32, z32, z32], axis=1),
      jnp.concatenate([z32, ws1T, z32, z32], axis=1),
      jnp.concatenate([z32, z32, wt1T, z32], axis=1),
      jnp.concatenate([z32, z32, z32, wt1T], axis=1)], axis=0)
  bvec = jnp.stack([b_srec[0], b_trec[0]]).reshape(1, 2)

  outs = _tc_heads(
      us, ut, dots[0],
      W_dan.T, b_dan.reshape(-1, 1), W_enc.T, b_enc.reshape(-1, 1),
      W_dec.T, b_dec.reshape(-1, 1), w_user, bvec)
  return outs.reshape(8 * B, 1)

# --- scband reference (transcript-rebuilt; emitter-appended) ---
"""Pipeline reference for scband-cdat-37838661878090 (READ-ONLY COPY).

The authoritative reference and input builder live on the scoring server;
editing this copy changes nothing except your own understanding.
"""

import jax, jax.numpy as jnp
import numpy as np

SUserNum = 100000
TUserNum = 100000
SItemNum = 100000
TItemNum = 100000
LowEmbedDim = 64
DomainInvariantLen = 32
CDAELen = 32
B = 16384


def setup_inputs(seed: int = 0):
    key = jax.random.key(seed)
    ks = jax.random.split(key, 12)
    s = 0.02
    inp = {}
    inp["SInterBatch"] = jax.random.randint(ks[0], (3, B), 0, SUserNum)
    inp["TInterBatch"] = jax.random.randint(ks[1], (3, B), 0, TUserNum)
    inp["SUserTable"] = jax.random.normal(ks[2], (SUserNum, LowEmbedDim), dtype=jnp.float32) * s
    inp["TUserTable"] = jax.random.normal(ks[3], (TUserNum, LowEmbedDim), dtype=jnp.float32) * s
    inp["SItemTable"] = jax.random.normal(ks[4], (SItemNum, LowEmbedDim), dtype=jnp.float32) * s
    inp["TItemTable"] = jax.random.normal(ks[5], (TItemNum, LowEmbedDim), dtype=jnp.float32) * s
    inp["W_dan"] = jax.random.normal(ks[6], (LowEmbedDim, DomainInvariantLen), dtype=jnp.float32) * s
    inp["b_dan"] = jnp.zeros((DomainInvariantLen,), dtype=jnp.float32)
    inp["W_srec"] = jax.random.normal(ks[7], (DomainInvariantLen + LowEmbedDim, 1), dtype=jnp.float32) * s
    inp["b_srec"] = jnp.zeros((1,), dtype=jnp.float32)
    inp["W_trec"] = jax.random.normal(ks[8], (DomainInvariantLen + LowEmbedDim, 1), dtype=jnp.float32) * s
    inp["b_trec"] = jnp.zeros((1,), dtype=jnp.float32)
    inp["W_enc"] = jax.random.normal(ks[9], (DomainInvariantLen, CDAELen), dtype=jnp.float32) * s
    inp["b_enc"] = jnp.zeros((CDAELen,), dtype=jnp.float32)
    inp["W_dec"] = jax.random.normal(ks[10], (CDAELen, DomainInvariantLen), dtype=jnp.float32) * s
    inp["b_dec"] = jnp.zeros((DomainInvariantLen,), dtype=jnp.float32)
    return inp


def _forward(SUserTable, TUserTable, SItemTable, TItemTable, W_dan, b_dan, W_srec, b_srec, W_trec, b_trec, W_enc, b_enc, W_dec, b_dec, SInterBatch, TInterBatch):
    # R2Lfw + batch user gather
    SUserPos = jnp.take(SUserTable, SInterBatch[0], axis=0)
    TUserPos = jnp.take(TUserTable, TInterBatch[0], axis=0)
    # Danfw: domain-invariant projection
    SDI = jax.nn.relu(SUserPos @ W_dan + b_dan)
    TDI = jax.nn.relu(TUserPos @ W_dan + b_dan)
    # Recfw: item gathers (pos/neg) + per-domain Rec heads
    SItemPos = jnp.take(SItemTable, SInterBatch[1], axis=0)
    SItemNeg = jnp.take(SItemTable, SInterBatch[2], axis=0)
    TItemPos = jnp.take(TItemTable, TInterBatch[1], axis=0)
    TItemNeg = jnp.take(TItemTable, TInterBatch[2], axis=0)
    SPosPred = jnp.concatenate([SDI, SItemPos], axis=1) @ W_srec + b_srec
    SNegPred = jnp.concatenate([SDI, SItemNeg], axis=1) @ W_srec + b_srec
    TPosPred = jnp.concatenate([TDI, TItemPos], axis=1) @ W_trec + b_trec
    TNegPred = jnp.concatenate([TDI, TItemNeg], axis=1) @ W_trec + b_trec
    # Cdanfw: cross-domain autoencoder over concatenated DI
    DI = jnp.concatenate([SDI, TDI], axis=0)
    hid = jax.nn.relu(DI @ W_enc + b_enc)
    CDAE = hid @ W_dec + b_dec
    n = SDI.shape[0]
    SCDAE = CDAE[:n]
    TCDAE = CDAE[n:]
    # ASRecfw / ATRecfw: rec heads on cross-domain codes
    ASPosPred = jnp.concatenate([SCDAE, SItemPos], axis=1) @ W_srec + b_srec
    ASNegPred = jnp.concatenate([SCDAE, SItemNeg], axis=1) @ W_srec + b_srec
    ATPosPred = jnp.concatenate([TCDAE, TItemPos], axis=1) @ W_trec + b_trec
    ATNegPred = jnp.concatenate([TCDAE, TItemNeg], axis=1) @ W_trec + b_trec
    return jnp.concatenate([SPosPred, TPosPred, SNegPred, TNegPred, ASPosPred, ASNegPred, ATPosPred, ATNegPred], axis=0)


def reference(SInterBatch, TInterBatch, SUserTable, TUserTable, SItemTable, TItemTable, W_dan, b_dan, W_srec, b_srec, W_trec, b_trec, W_enc, b_enc, W_dec, b_dec):
    return _forward(SUserTable, TUserTable, SItemTable, TItemTable, W_dan, b_dan, W_srec, b_srec, W_trec, b_trec, W_enc, b_enc, W_dec, b_dec, SInterBatch, TInterBatch)

if __name__ == "__main__":
    import jax
    _d = setup_inputs()
    print(jax.jit(kernel)(*tuple(_d.values())))

</pallas_src>

<mosaic_0001>
#map = affine_map<(d0, d1) -> (0, 0)>
module attributes {stable_mosaic.version = 14 : i64} {
  func.func @_sc_tu_body(%arg0: i32, %arg1: i32, %arg2: memref<100000x64xf32, #tpu.memory_space<hbm>>, %arg3: memref<128x128xi32, #tpu.memory_space<hbm>>, %arg4: memref<16384x128xf32, #tpu.memory_space<hbm>>, %arg5: memref<4x128xi32, #tpu.memory_space<vmem>>, %arg6: memref<512x64xf32, #tpu.memory_space<vmem>>, %arg7: memref<!tpu.dma_semaphore, #tpu.memory_space<semaphore_mem>>) attributes {dimension_semantics = [#tpu.dimension_semantics<core_parallel>, #tpu.dimension_semantics<subcore_parallel>], iteration_bounds = array<i64: 2, 16>, scalar_prefetch = 0 : i64, scratch_operands = 3 : i64, tpu.core_type = #tpu.core_type<sc_vector_subcore>, window_params = [{transform_indices = #map}, {transform_indices = #map}, {transform_indices = #map}]} {
    %mul3A = arith.constant 2 : i32
    %mul3A_0 = arith.muli %arg1, %mul3A : i32
    %add3A = arith.addi %mul3A_0, %arg0 : i32
    %mul3A_1 = arith.constant 4 : i32
    %mul3A_2 = arith.muli %add3A, %mul3A_1 : i32
    %mul3A_3 = arith.constant 512 : i32
    %mul3A_4 = arith.muli %add3A, %mul3A_3 : i32
    "tpu.region"() ({
      %run_scoped3A = tpu.sem_alloc : memref<!tpu.dma_semaphore, #tpu.memory_space<semaphore_mem>>
      %dma_start3A_83 = arith.constant 0 : i32
      %dma_start3A_84 = tpu.memref_slice %arg3[%mul3A_2, %dma_start3A_83] : memref<128x128xi32, #tpu.memory_space<hbm>> -> memref<4x128xi32, #tpu.memory_space<hbm>>
      %dma_start3A_85 = arith.constant 0 : i32
      %dma_start3A_86 = tpu.memref_slice %arg3[%mul3A_2, %dma_start3A_85] : memref<128x128xi32, #tpu.memory_space<hbm>> -> memref<4x128xi32, #tpu.memory_space<hbm>>
      tpu.enqueue_dma source(%dma_start3A_86 : memref<4x128xi32, #tpu.memory_space<hbm>>) target(%arg5 : memref<4x128xi32, #tpu.memory_space<vmem>>) target_semaphore(%run_scoped3A : memref<!tpu.dma_semaphore, #tpu.memory_space<semaphore_mem>>)
      %dma_wait3A_87 = arith.constant 0 : i32
      %dma_wait3A_88 = tpu.memref_slice %arg3[%mul3A_2, %dma_wait3A_87] : memref<128x128xi32, #tpu.memory_space<hbm>> -> memref<4x128xi32, #tpu.memory_space<hbm>>
      %dma_wait3A_89 = arith.constant 0 : i32
      %dma_wait3A_90 = tpu.memref_slice %arg3[%mul3A_2, %dma_wait3A_89] : memref<128x128xi32, #tpu.memory_space<hbm>> -> memref<4x128xi32, #tpu.memory_space<hbm>>
      tpu.wait_dma2 semaphore(%run_scoped3A : memref<!tpu.dma_semaphore, #tpu.memory_space<semaphore_mem>>) src(%dma_wait3A_90 : memref<4x128xi32, #tpu.memory_space<hbm>>) dst(%arg5 : memref<4x128xi32, #tpu.memory_space<vmem>>)
      tpu.yield
    }) : () -> ()
    %dma_start3A = arith.constant 0 : i32
    %dma_start3A_5 = arith.constant 0 : i32
    %dma_start3A_6 = arith.constant 0 : i32
    %dma_start3A_7 = tpu.memref_slice %arg6[%dma_start3A_5, %dma_start3A_6] : memref<512x64xf32, #tpu.memory_space<vmem>> -> memref<128x64xf32, #tpu.memory_space<vmem>>
    %dma_start3A_8 = arith.constant 0 : i32
    %dma_start3A_9 = tpu.memref_slice %arg5[%dma_start3A, %dma_start3A_8] : memref<4x128xi32, #tpu.memory_space<vmem>> -> memref<1x128xi32, #tpu.memory_space<vmem>>
    %dma_start3A_10 = tpu.memref_squeeze %dma_start3A_9 : memref<1x128xi32, #tpu.memory_space<vmem>> -> memref<128xi32, #tpu.memory_space<vmem>>
    %dma_start3A_11 = arith.constant 0 : i32
    %dma_start3A_12 = arith.constant 0 : i32
    %dma_start3A_13 = tpu.memref_slice %arg2[%dma_start3A_11, %dma_start3A_12] : memref<100000x64xf32, #tpu.memory_space<hbm>> -> memref<100000x64xf32, #tpu.memory_space<hbm>>
    tpu.enqueue_indirect_dma source(%dma_start3A_13 : memref<100000x64xf32, #tpu.memory_space<hbm>>) target(%dma_start3A_7 : memref<128x64xf32, #tpu.memory_space<vmem>>) offsets(%dma_start3A_10 : memref<128xi32, #tpu.memory_space<vmem>>) semaphore(%arg7 : memref<!tpu.dma_semaphore, #tpu.memory_space<semaphore_mem>>)
    %dma_start3A_14 = arith.constant 1 : i32
    %dma_start3A_15 = arith.constant 128 : i32
    %dma_start3A_16 = arith.constant 0 : i32
    %dma_start3A_17 = tpu.memref_slice %arg6[%dma_start3A_15, %dma_start3A_16] : memref<512x64xf32, #tpu.memory_space<vmem>> -> memref<128x64xf32, #tpu.memory_space<vmem>>
    %dma_start3A_18 = arith.constant 0 : i32
    %dma_start3A_19 = tpu.memref_slice %arg5[%dma_start3A_14, %dma_start3A_18] : memref<4x128xi32, #tpu.memory_space<vmem>> -> memref<1x128xi32, #tpu.memory_space<vmem>>
    %dma_start3A_20 = tpu.memref_squeeze %dma_start3A_19 : memref<1x128xi32, #tpu.memory_space<vmem>> -> memref<128xi32, #tpu.memory_space<vmem>>
    %dma_start3A_21 = arith.constant 0 : i32
    %dma_start3A_22 = arith.constant 0 : i32
    %dma_start3A_23 = tpu.memref_slice %arg2[%dma_start3A_21, %dma_start3A_22] : memref<100000x64xf32, #tpu.memory_space<hbm>> -> memref<100000x64xf32, #tpu.memory_space<hbm>>
    tpu.enqueue_indirect_dma source(%dma_start3A_23 : memref<100000x64xf32, #tpu.memory_space<hbm>>) target(%dma_start3A_17 : memref<128x64xf32, #tpu.memory_space<vmem>>) offsets(%dma_start3A_20 : memref<128xi32, #tpu.memory_space<vmem>>) semaphore(%arg7 : memref<!tpu.dma_semaphore, #tpu.memory_space<semaphore_mem>>)
    %dma_start3A_24 = arith.constant 2 : i32
    %dma_start3A_25 = arith.constant 256 : i32
    %dma_start3A_26 = arith.constant 0 : i32
    %dma_start3A_27 = tpu.memref_slice %arg6[%dma_start3A_25, %dma_start3A_26] : memref<512x64xf32, #tpu.memory_space<vmem>> -> memref<128x64xf32, #tpu.memory_space<vmem>>
    %dma_start3A_28 = arith.constant 0 : i32
    %dma_start3A_29 = tpu.memref_slice %arg5[%dma_start3A_24, %dma_start3A_28] : memref<4x128xi32, #tpu.memory_space<vmem>> -> memref<1x128xi32, #tpu.memory_space<vmem>>
    %dma_start3A_30 = tpu.memref_squeeze %dma_start3A_29 : memref<1x128xi32, #tpu.memory_space<vmem>> -> memref<128xi32, #tpu.memory_space<vmem>>
    %dma_start3A_31 = arith.constant 0 : i32
    %dma_start3A_32 = arith.constant 0 : i32
    %dma_start3A_33 = tpu.memref_slice %arg2[%dma_start3A_31, %dma_start3A_32] : memref<100000x64xf32, #tpu.memory_space<hbm>> -> memref<100000x64xf32, #tpu.memory_space<hbm>>
    tpu.enqueue_indirect_dma source(%dma_start3A_33 : memref<100000x64xf32, #tpu.memory_space<hbm>>) target(%dma_start3A_27 : memref<128x64xf32, #tpu.memory_space<vmem>>) offsets(%dma_start3A_30 : memref<128xi32, #tpu.memory_space<vmem>>) semaphore(%arg7 : memref<!tpu.dma_semaphore, #tpu.memory_space<semaphore_mem>>)
    %dma_start3A_34 = arith.constant 3 : i32
    %dma_start3A_35 = arith.constant 384 : i32
    %dma_start3A_36 = arith.constant 0 : i32
    %dma_start3A_37 = tpu.memref_slice %arg6[%dma_start3A_35, %dma_start3A_36] : memref<512x64xf32, #tpu.memory_space<vmem>> -> memref<128x64xf32, #tpu.memory_space<vmem>>
    %dma_start3A_38 = arith.constant 0 : i32
    %dma_start3A_39 = tpu.memref_slice %arg5[%dma_start3A_34, %dma_start3A_38] : memref<4x128xi32, #tpu.memory_space<vmem>> -> memref<1x128xi32, #tpu.memory_space<vmem>>
    %dma_start3A_40 = tpu.memref_squeeze %dma_start3A_39 : memref<1x128xi32, #tpu.memory_space<vmem>> -> memref<128xi32, #tpu.memory_space<vmem>>
    %dma_start3A_41 = arith.constant 0 : i32
    %dma_start3A_42 = arith.constant 0 : i32
    %dma_start3A_43 = tpu.memref_slice %arg2[%dma_start3A_41, %dma_start3A_42] : memref<100000x64xf32, #tpu.memory_space<hbm>> -> memref<100000x64xf32, #tpu.memory_space<hbm>>
    tpu.enqueue_indirect_dma source(%dma_start3A_43 : memref<100000x64xf32, #tpu.memory_space<hbm>>) target(%dma_start3A_37 : memref<128x64xf32, #tpu.memory_space<vmem>>) offsets(%dma_start3A_40 : memref<128xi32, #tpu.memory_space<vmem>>) semaphore(%arg7 : memref<!tpu.dma_semaphore, #tpu.memory_space<semaphore_mem>>)
    %dma_wait3A = arith.constant 0 : i32
    %dma_wait3A_44 = arith.constant 0 : i32
    %dma_wait3A_45 = arith.constant 0 : i32
    %dma_wait3A_46 = tpu.memref_slice %arg6[%dma_wait3A_44, %dma_wait3A_45] : memref<512x64xf32, #tpu.memory_space<vmem>> -> memref<128x64xf32, #tpu.memory_space<vmem>>
    %dma_wait3A_47 = arith.constant 0 : i32
    %dma_wait3A_48 = tpu.memref_slice %arg5[%dma_wait3A, %dma_wait3A_47] : memref<4x128xi32, #tpu.memory_space<vmem>> -> memref<1x128xi32, #tpu.memory_space<vmem>>
    %dma_wait3A_49 = tpu.memref_squeeze %dma_wait3A_48 : memref<1x128xi32, #tpu.memory_space<vmem>> -> memref<128xi32, #tpu.memory_space<vmem>>
    %dma_wait3A_50 = arith.constant 0 : i32
    %dma_wait3A_51 = arith.constant 0 : i32
    %dma_wait3A_52 = tpu.memref_slice %arg2[%dma_wait3A_50, %dma_wait3A_51] : memref<100000x64xf32, #tpu.memory_space<hbm>> -> memref<100000x64xf32, #tpu.memory_space<hbm>>
    tpu.wait_indirect_dma semaphore(%arg7 : memref<!tpu.dma_semaphore, #tpu.memory_space<semaphore_mem>>) src(%dma_wait3A_52 : memref<100000x64xf32, #tpu.memory_space<hbm>>) dst(%dma_wait3A_46 : memref<128x64xf32, #tpu.memory_space<vmem>>)
    %dma_wait3A_53 = arith.constant 1 : i32
    %dma_wait3A_54 = arith.constant 128 : i32
    %dma_wait3A_55 = arith.constant 0 : i32
    %dma_wait3A_56 = tpu.memref_slice %arg6[%dma_wait3A_54, %dma_wait3A_55] : memref<512x64xf32, #tpu.memory_space<vmem>> -> memref<128x64xf32, #tpu.memory_space<vmem>>
    %dma_wait3A_57 = arith.constant 0 : i32
    %dma_wait3A_58 = tpu.memref_slice %arg5[%dma_wait3A_53, %dma_wait3A_57] : memref<4x128xi32, #tpu.memory_space<vmem>> -> memref<1x128xi32, #tpu.memory_space<vmem>>
    %dma_wait3A_59 = tpu.memref_squeeze %dma_wait3A_58 : memref<1x128xi32, #tpu.memory_space<vmem>> -> memref<128xi32, #tpu.memory_space<vmem>>
    %dma_wait3A_60 = arith.constant 0 : i32
    %dma_wait3A_61 = arith.constant 0 : i32
    %dma_wait3A_62 = tpu.memref_slice %arg2[%dma_wait3A_60, %dma_wait3A_61] : memref<100000x64xf32, #tpu.memory_space<hbm>> -> memref<100000x64xf32, #tpu.memory_space<hbm>>
    tpu.wait_indirect_dma semaphore(%arg7 : memref<!tpu.dma_semaphore, #tpu.memory_space<semaphore_mem>>) src(%dma_wait3A_62 : memref<100000x64xf32, #tpu.memory_space<hbm>>) dst(%dma_wait3A_56 : memref<128x64xf32, #tpu.memory_space<vmem>>)
    %dma_wait3A_63 = arith.constant 2 : i32
    %dma_wait3A_64 = arith.constant 256 : i32
    %dma_wait3A_65 = arith.constant 0 : i32
    %dma_wait3A_66 = tpu.memref_slice %arg6[%dma_wait3A_64, %dma_wait3A_65] : memref<512x64xf32, #tpu.memory_space<vmem>> -> memref<128x64xf32, #tpu.memory_space<vmem>>
    %dma_wait3A_67 = arith.constant 0 : i32
    %dma_wait3A_68 = tpu.memref_slice %arg5[%dma_wait3A_63, %dma_wait3A_67] : memref<4x128xi32, #tpu.memory_space<vmem>> -> memref<1x128xi32, #tpu.memory_space<vmem>>
    %dma_wait3A_69 = tpu.memref_squeeze %dma_wait3A_68 : memref<1x128xi32, #tpu.memory_space<vmem>> -> memref<128xi32, #tpu.memory_space<vmem>>
    %dma_wait3A_70 = arith.constant 0 : i32
    %dma_wait3A_71 = arith.constant 0 : i32
    %dma_wait3A_72 = tpu.memref_slice %arg2[%dma_wait3A_70, %dma_wait3A_71] : memref<100000x64xf32, #tpu.memory_space<hbm>> -> memref<100000x64xf32, #tpu.memory_space<hbm>>
    tpu.wait_indirect_dma semaphore(%arg7 : memref<!tpu.dma_semaphore, #tpu.memory_space<semaphore_mem>>) src(%dma_wait3A_72 : memref<100000x64xf32, #tpu.memory_space<hbm>>) dst(%dma_wait3A_66 : memref<128x64xf32, #tpu.memory_space<vmem>>)
    %dma_wait3A_73 = arith.constant 3 : i32
    %dma_wait3A_74 = arith.constant 384 : i32
    %dma_wait3A_75 = arith.constant 0 : i32
    %dma_wait3A_76 = tpu.memref_slice %arg6[%dma_wait3A_74, %dma_wait3A_75] : memref<512x64xf32, #tpu.memory_space<vmem>> -> memref<128x64xf32, #tpu.memory_space<vmem>>
    %dma_wait3A_77 = arith.constant 0 : i32
    %dma_wait3A_78 = tpu.memref_slice %arg5[%dma_wait3A_73, %dma_wait3A_77] : memref<4x128xi32, #tpu.memory_space<vmem>> -> memref<1x128xi32, #tpu.memory_space<vmem>>
    %dma_wait3A_79 = tpu.memref_squeeze %dma_wait3A_78 : memref<1x128xi32, #tpu.memory_space<vmem>> -> memref<128xi32, #tpu.memory_space<vmem>>
    %dma_wait3A_80 = arith.constant 0 : i32
    %dma_wait3A_81 = arith.constant 0 : i32
    %dma_wait3A_82 = tpu.memref_slice %arg2[%dma_wait3A_80, %dma_wait3A_81] : memref<100000x64xf32, #tpu.memory_space<hbm>> -> memref<100000x64xf32, #tpu.memory_space<hbm>>
    tpu.wait_indirect_dma semaphore(%arg7 : memref<!tpu.dma_semaphore, #tpu.memory_space<semaphore_mem>>) src(%dma_wait3A_82 : memref<100000x64xf32, #tpu.memory_space<hbm>>) dst(%dma_wait3A_76 : memref<128x64xf32, #tpu.memory_space<vmem>>)
    "tpu.region"() ({
      %run_scoped3A = tpu.sem_alloc : memref<!tpu.dma_semaphore, #tpu.memory_space<semaphore_mem>>
      %dma_start3A_83 = arith.constant 64 : i32
      %dma_start3A_84 = tpu.memref_slice %arg4[%mul3A_4, %dma_start3A_83] : memref<16384x128xf32, #tpu.memory_space<hbm>> -> memref<512x64xf32, #tpu.memory_space<hbm>>
      %dma_start3A_85 = arith.constant 64 : i32
      %dma_start3A_86 = tpu.memref_slice %arg4[%mul3A_4, %dma_start3A_85] : memref<16384x128xf32, #tpu.memory_space<hbm>> -> memref<512x64xf32, #tpu.memory_space<hbm>>
      tpu.enqueue_dma source(%arg6 : memref<512x64xf32, #tpu.memory_space<vmem>>) target(%dma_start3A_86 : memref<512x64xf32, #tpu.memory_space<hbm>>) target_semaphore(%run_scoped3A : memref<!tpu.dma_semaphore, #tpu.memory_space<semaphore_mem>>)
      %dma_wait3A_87 = arith.constant 64 : i32
      %dma_wait3A_88 = tpu.memref_slice %arg4[%mul3A_4, %dma_wait3A_87] : memref<16384x128xf32, #tpu.memory_space<hbm>> -> memref<512x64xf32, #tpu.memory_space<hbm>>
      %dma_wait3A_89 = arith.constant 64 : i32
      %dma_wait3A_90 = tpu.memref_slice %arg4[%mul3A_4, %dma_wait3A_89] : memref<16384x128xf32, #tpu.memory_space<hbm>> -> memref<512x64xf32, #tpu.memory_space<hbm>>
      tpu.wait_dma2 semaphore(%run_scoped3A : memref<!tpu.dma_semaphore, #tpu.memory_space<semaphore_mem>>) src(%arg6 : memref<512x64xf32, #tpu.memory_space<vmem>>) dst(%dma_wait3A_90 : memref<512x64xf32, #tpu.memory_space<hbm>>)
      tpu.yield
    }) : () -> ()
    return
  }
}

#map = affine_map<(d0, d1) -> (0, 0)>
module attributes {stable_mosaic.version = 14 : i64} {
  func.func @_sc_dots_body(%arg0: i32, %arg1: i32, %arg2: memref<8x100096xf32, #tpu.memory_space<hbm>>, %arg3: memref<128x128xi32, #tpu.memory_space<hbm>>, %arg4: memref<128x128xi32, #tpu.memory_space<hbm>>, %arg5: memref<128x128xi32, #tpu.memory_space<hbm>>, %arg6: memref<128x128xi32, #tpu.memory_space<hbm>>, %arg7: memref<8x16384xf32, #tpu.memory_space<hbm>>, %arg8: memref<4x128xi32, #tpu.memory_space<vmem>>, %arg9: memref<512xf32, #tpu.memory_space<vmem>>, %arg10: memref<!tpu.dma_semaphore, #tpu.memory_space<semaphore_mem>>) attributes {dimension_semantics = [#tpu.dimension_semantics<core_parallel>, #tpu.dimension_semantics<subcore_parallel>], iteration_bounds = array<i64: 2, 16>, scalar_prefetch = 0 : i64, scratch_operands = 3 : i64, tpu.core_type = #tpu.core_type<sc_vector_subcore>, window_params = [{transform_indices = #map}, {transform_indices = #map}, {transform_indices = #map}, {transform_indices = #map}, {transform_indices = #map}, {transform_indices = #map}]} {
    %mul3A = arith.constant 2 : i32
    %mul3A_0 = arith.muli %arg1, %mul3A : i32
    %add3A = arith.addi %mul3A_0, %arg0 : i32
    %mul3A_1 = arith.constant 4 : i32
    %mul3A_2 = arith.muli %add3A, %mul3A_1 : i32
    %mul3A_3 = arith.constant 512 : i32
    %mul3A_4 = arith.muli %add3A, %mul3A_3 : i32
    "tpu.region"() ({
      %run_scoped3A_390 = tpu.sem_alloc : memref<!tpu.dma_semaphore, #tpu.memory_space<semaphore_mem>>
      %dma_start3A_391 = arith.constant 0 : i32
      %dma_start3A_392 = tpu.memref_slice %arg3[%mul3A_2, %dma_start3A_391] : memref<128x128xi32, #tpu.memory_space<hbm>> -> memref<4x128xi32, #tpu.memory_space<hbm>>
      %dma_start3A_393 = arith.constant 0 : i32
      %dma_start3A_394 = tpu.memref_slice %arg3[%mul3A_2, %dma_start3A_393] : memref<128x128xi32, #tpu.memory_space<hbm>> -> memref<4x128xi32, #tpu.memory_space<hbm>>
      tpu.enqueue_dma source(%dma_start3A_394 : memref<4x128xi32, #tpu.memory_space<hbm>>) target(%arg8 : memref<4x128xi32, #tpu.memory_space<vmem>>) target_semaphore(%run_scoped3A_390 : memref<!tpu.dma_semaphore, #tpu.memory_space<semaphore_mem>>)
      %dma_wait3A_395 = arith.constant 0 : i32
      %dma_wait3A_396 = tpu.memref_slice %arg3[%mul3A_2, %dma_wait3A_395] : memref<128x128xi32, #tpu.memory_space<hbm>> -> memref<4x128xi32, #tpu.memory_space<hbm>>
      %dma_wait3A_397 = arith.constant 0 : i32
      %dma_wait3A_398 = tpu.memref_slice %arg3[%mul3A_2, %dma_wait3A_397] : memref<128x128xi32, #tpu.memory_space<hbm>> -> memref<4x128xi32, #tpu.memory_space<hbm>>
      tpu.wait_dma2 semaphore(%run_scoped3A_390 : memref<!tpu.dma_semaphore, #tpu.memory_space<semaphore_mem>>) src(%dma_wait3A_398 : memref<4x128xi32, #tpu.memory_space<hbm>>) dst(%arg8 : memref<4x128xi32, #tpu.memory_space<vmem>>)
      tpu.yield
    }) : () -> ()
    %dma_start3A = arith.constant 0 : i32
    %dma_start3A_5 = arith.constant 0 : i32
    %dma_start3A_6 = arith.constant 0 : i32
    %dma_start3A_7 = tpu.memref_slice %arg9[%dma_start3A_6] : memref<512xf32, #tpu.memory_space<vmem>> -> memref<128xf32, #tpu.memory_space<vmem>>
    %dma_start3A_8 = arith.constant 0 : i32
    %dma_start3A_9 = tpu.memref_slice %arg8[%dma_start3A_5, %dma_start3A_8] : memref<4x128xi32, #tpu.memory_space<vmem>> -> memref<1x128xi32, #tpu.memory_space<vmem>>
    %dma_start3A_10 = tpu.memref_squeeze %dma_start3A_9 : memref<1x128xi32, #tpu.memory_space<vmem>> -> memref<128xi32, #tpu.memory_space<vmem>>
    %dma_start3A_11 = arith.constant 0 : i32
    %dma_start3A_12 = tpu.memref_slice %arg2[%dma_start3A, %dma_start3A_11] : memref<8x100096xf32, #tpu.memory_space<hbm>> -> memref<1x100096xf32, #tpu.memory_space<hbm>>
    %dma_start3A_13 = tpu.memref_squeeze %dma_start3A_12 : memref<1x100096xf32, #tpu.memory_space<hbm>> -> memref<100096xf32, #tpu.memory_space<hbm>>
    %dma_start3A_14 = arith.constant 0 : i32
    %dma_start3A_15 = tpu.memref_slice %dma_start3A_13[%dma_start3A_14] : memref<100096xf32, #tpu.memory_space<hbm>> -> memref<100096xf32, #tpu.memory_space<hbm>>
    tpu.enqueue_indirect_dma source(%dma_start3A_15 : memref<100096xf32, #tpu.memory_space<hbm>>) target(%dma_start3A_7 : memref<128xf32, #tpu.memory_space<vmem>>) offsets(%dma_start3A_10 : memref<128xi32, #tpu.memory_space<vmem>>) semaphore(%arg10 : memref<!tpu.dma_semaphore, #tpu.memory_space<semaphore_mem>>)
    %dma_start3A_16 = arith.constant 0 : i32
    %dma_start3A_17 = arith.constant 1 : i32
    %dma_start3A_18 = arith.constant 128 : i32
    %dma_start3A_19 = tpu.memref_slice %arg9[%dma_start3A_18] : memref<512xf32, #tpu.memory_space<vmem>> -> memref<128xf32, #tpu.memory_space<vmem>>
    %dma_start3A_20 = arith.constant 0 : i32
    %dma_start3A_21 = tpu.memref_slice %arg8[%dma_start3A_17, %dma_start3A_20] : memref<4x128xi32, #tpu.memory_space<vmem>> -> memref<1x128xi32, #tpu.memory_space<vmem>>
    %dma_start3A_22 = tpu.memref_squeeze %dma_start3A_21 : memref<1x128xi32, #tpu.memory_space<vmem>> -> memref<128xi32, #tpu.memory_space<vmem>>
    %dma_start3A_23 = arith.constant 0 : i32
    %dma_start3A_24 = tpu.memref_slice %arg2[%dma_start3A_16, %dma_start3A_23] : memref<8x100096xf32, #tpu.memory_space<hbm>> -> memref<1x100096xf32, #tpu.memory_space<hbm>>
    %dma_start3A_25 = tpu.memref_squeeze %dma_start3A_24 : memref<1x100096xf32, #tpu.memory_space<hbm>> -> memref<100096xf32, #tpu.memory_space<hbm>>
    %dma_start3A_26 = arith.constant 0 : i32
    %dma_start3A_27 = tpu.memref_slice %dma_start3A_25[%dma_start3A_26] : memref<100096xf32, #tpu.memory_space<hbm>> -> memref<100096xf32, #tpu.memory_space<hbm>>
    tpu.enqueue_indirect_dma source(%dma_start3A_27 : memref<100096xf32, #tpu.memory_space<hbm>>) target(%dma_start3A_19 : memref<128xf32, #tpu.memory_space<vmem>>) offsets(%dma_start3A_22 : memref<128xi32, #tpu.memory_space<vmem>>) semaphore(%arg10 : memref<!tpu.dma_semaphore, #tpu.memory_space<semaphore_mem>>)
    %dma_start3A_28 = arith.constant 0 : i32
    %dma_start3A_29 = arith.constant 2 : i32
    %dma_start3A_30 = arith.constant 256 : i32
    %dma_start3A_31 = tpu.memref_slice %arg9[%dma_start3A_30] : memref<512xf32, #tpu.memory_space<vmem>> -> memref<128xf32, #tpu.memory_space<vmem>>
    %dma_start3A_32 = arith.constant 0 : i32
    %dma_start3A_33 = tpu.memref_slice %arg8[%dma_start3A_29, %dma_start3A_32] : memref<4x128xi32, #tpu.memory_space<vmem>> -> memref<1x128xi32, #tpu.memory_space<vmem>>
    %dma_start3A_34 = tpu.memref_squeeze %dma_start3A_33 : memref<1x128xi32, #tpu.memory_space<vmem>> -> memref<128xi32, #tpu.memory_space<vmem>>
    %dma_start3A_35 = arith.constant 0 : i32
    %dma_start3A_36 = tpu.memref_slice %arg2[%dma_start3A_28, %dma_start3A_35] : memref<8x100096xf32, #tpu.memory_space<hbm>> -> memref<1x100096xf32, #tpu.memory_space<hbm>>
    %dma_start3A_37 = tpu.memref_squeeze %dma_start3A_36 : memref<1x100096xf32, #tpu.memory_space<hbm>> -> memref<100096xf32, #tpu.memory_space<hbm>>
    %dma_start3A_38 = arith.constant 0 : i32
    %dma_start3A_39 = tpu.memref_slice %dma_start3A_37[%dma_start3A_38] : memref<100096xf32, #tpu.memory_space<hbm>> -> memref<100096xf32, #tpu.memory_space<hbm>>
    tpu.enqueue_indirect_dma source(%dma_start3A_39 : memref<100096xf32, #tpu.memory_space<hbm>>) target(%dma_start3A_31 : memref<128xf32, #tpu.memory_space<vmem>>) offsets(%dma_start3A_34 : memref<128xi32, #tpu.memory_space<vmem>>) semaphore(%arg10 : memref<!tpu.dma_semaphore, #tpu.memory_space<semaphore_mem>>)
    %dma_start3A_40 = arith.constant 0 : i32
    %dma_start3A_41 = arith.constant 3 : i32
    %dma_start3A_42 = arith.constant 384 : i32
    %dma_start3A_43 = tpu.memref_slice %arg9[%dma_start3A_42] : memref<512xf32, #tpu.memory_space<vmem>> -> memref<128xf32, #tpu.memory_space<vmem>>
    %dma_start3A_44 = arith.constant 0 : i32
    %dma_start3A_45 = tpu.memref_slice %arg8[%dma_start3A_41, %dma_start3A_44] : memref<4x128xi32, #tpu.memory_space<vmem>> -> memref<1x128xi32, #tpu.memory_space<vmem>>
    %dma_start3A_46 = tpu.memref_squeeze %dma_start3A_45 : memref<1x128xi32, #tpu.memory_space<vmem>> -> memref<128xi32, #tpu.memory_space<vmem>>
    %dma_start3A_47 = arith.constant 0 : i32
    %dma_start3A_48 = tpu.memref_slice %arg2[%dma_start3A_40, %dma_start3A_47] : memref<8x100096xf32, #tpu.memory_space<hbm>> -> memref<1x100096xf32, #tpu.memory_space<hbm>>
    %dma_start3A_49 = tpu.memref_squeeze %dma_start3A_48 : memref<1x100096xf32, #tpu.memory_space<hbm>> -> memref<100096xf32, #tpu.memory_space<hbm>>
    %dma_start3A_50 = arith.constant 0 : i32
    %dma_start3A_51 = tpu.memref_slice %dma_start3A_49[%dma_start3A_50] : memref<100096xf32, #tpu.memory_space<hbm>> -> memref<100096xf32, #tpu.memory_space<hbm>>
    tpu.enqueue_indirect_dma source(%dma_start3A_51 : memref<100096xf32, #tpu.memory_space<hbm>>) target(%dma_start3A_43 : memref<128xf32, #tpu.memory_space<vmem>>) offsets(%dma_start3A_46 : memref<128xi32, #tpu.memory_space<vmem>>) semaphore(%arg10 : memref<!tpu.dma_semaphore, #tpu.memory_space<semaphore_mem>>)
    %dma_wait3A = arith.constant 0 : i32
    %dma_wait3A_52 = arith.constant 0 : i32
    %dma_wait3A_53 = arith.constant 0 : i32
    %dma_wait3A_54 = tpu.memref_slice %arg9[%dma_wait3A_53] : memref<512xf32, #tpu.memory_space<vmem>> -> memref<128xf32, #tpu.memory_space<vmem>>
    %dma_wait3A_55 = arith.constant 0 : i32
    %dma_wait3A_56 = tpu.memref_slice %arg8[%dma_wait3A_52, %dma_wait3A_55] : memref<4x128xi32, #tpu.memory_space<vmem>> -> memref<1x128xi32, #tpu.memory_space<vmem>>
    %dma_wait3A_57 = tpu.memref_squeeze %dma_wait3A_56 : memref<1x128xi32, #tpu.memory_space<vmem>> -> memref<128xi32, #tpu.memory_space<vmem>>
    %dma_wait3A_58 = arith.constant 0 : i32
    %dma_wait3A_59 = tpu.memref_slice %arg2[%dma_wait3A, %dma_wait3A_58] : memref<8x100096xf32, #tpu.memory_space<hbm>> -> memref<1x100096xf32, #tpu.memory_space<hbm>>
    %dma_wait3A_60 = tpu.memref_squeeze %dma_wait3A_59 : memref<1x100096xf32, #tpu.memory_space<hbm>> -> memref<100096xf32, #tpu.memory_space<hbm>>
    %dma_wait3A_61 = arith.constant 0 : i32
    %dma_wait3A_62 = tpu.memref_slice %dma_wait3A_60[%dma_wait3A_61] : memref<100096xf32, #tpu.memory_space<hbm>> -> memref<100096xf32, #tpu.memory_space<hbm>>
    tpu.wait_indirect_dma semaphore(%arg10 : memref<!tpu.dma_semaphore, #tpu.memory_space<semaphore_mem>>) src(%dma_wait3A_62 : memref<100096xf32, #tpu.memory_space<hbm>>) dst(%dma_wait3A_54 : memref<128xf32, #tpu.memory_space<vmem>>)
    %dma_wait3A_63 = arith.constant 0 : i32
    %dma_wait3A_64 = arith.constant 1 : i32
    %dma_wait3A_65 = arith.constant 128 : i32
    %dma_wait3A_66 = tpu.memref_slice %arg9[%dma_wait3A_65] : memref<512xf32, #tpu.memory_space<vmem>> -> memref<128xf32, #tpu.memory_space<vmem>>
    %dma_wait3A_67 = arith.constant 0 : i32
    %dma_wait3A_68 = tpu.memref_slice %arg8[%dma_wait3A_64, %dma_wait3A_67] : memref<4x128xi32, #tpu.memory_space<vmem>> -> memref<1x128xi32, #tpu.memory_space<vmem>>
    %dma_wait3A_69 = tpu.memref_squeeze %dma_wait3A_68 : memref<1x128xi32, #tpu.memory_space<vmem>> -> memref<128xi32, #tpu.memory_space<vmem>>
    %dma_wait3A_70 = arith.constant 0 : i32
    %dma_wait3A_71 = tpu.memref_slice %arg2[%dma_wait3A_63, %dma_wait3A_70] : memref<8x100096xf32, #tpu.memory_space<hbm>> -> memref<1x100096xf32, #tpu.memory_space<hbm>>
    %dma_wait3A_72 = tpu.memref_squeeze %dma_wait3A_71 : memref<1x100096xf32, #tpu.memory_space<hbm>> -> memref<100096xf32, #tpu.memory_space<hbm>>
    %dma_wait3A_73 = arith.constant 0 : i32
    %dma_wait3A_74 = tpu.memref_slice %dma_wait3A_72[%dma_wait3A_73] : memref<100096xf32, #tpu.memory_space<hbm>> -> memref<100096xf32, #tpu.memory_space<hbm>>
    tpu.wait_indirect_dma semaphore(%arg10 : memref<!tpu.dma_semaphore, #tpu.memory_space<semaphore_mem>>) src(%dma_wait3A_74 : memref<100096xf32, #tpu.memory_space<hbm>>) dst(%dma_wait3A_66 : memref<128xf32, #tpu.memory_space<vmem>>)
    %dma_wait3A_75 = arith.constant 0 : i32
    %dma_wait3A_76 = arith.constant 2 : i32
    %dma_wait3A_77 = arith.constant 256 : i32
    %dma_wait3A_78 = tpu.memref_slice %arg9[%dma_wait3A_77] : memref<512xf32, #tpu.memory_space<vmem>> -> memref<128xf32, #tpu.memory_space<vmem>>
    %dma_wait3A_79 = arith.constant 0 : i32
    %dma_wait3A_80 = tpu.memref_slice %arg8[%dma_wait3A_76, %dma_wait3A_79] : memref<4x128xi32, #tpu.memory_space<vmem>> -> memref<1x128xi32, #tpu.memory_space<vmem>>
    %dma_wait3A_81 = tpu.memref_squeeze %dma_wait3A_80 : memref<1x128xi32, #tpu.memory_space<vmem>> -> memref<128xi32, #tpu.memory_space<vmem>>
    %dma_wait3A_82 = arith.constant 0 : i32
    %dma_wait3A_83 = tpu.memref_slice %arg2[%dma_wait3A_75, %dma_wait3A_82] : memref<8x100096xf32, #tpu.memory_space<hbm>> -> memref<1x100096xf32, #tpu.memory_space<hbm>>
    %dma_wait3A_84 = tpu.memref_squeeze %dma_wait3A_83 : memref<1x100096xf32, #tpu.memory_space<hbm>> -> memref<100096xf32, #tpu.memory_space<hbm>>
    %dma_wait3A_85 = arith.constant 0 : i32
    %dma_wait3A_86 = tpu.memref_slice %dma_wait3A_84[%dma_wait3A_85] : memref<100096xf32, #tpu.memory_space<hbm>> -> memref<100096xf32, #tpu.memory_space<hbm>>
    tpu.wait_indirect_dma semaphore(%arg10 : memref<!tpu.dma_semaphore, #tpu.memory_space<semaphore_mem>>) src(%dma_wait3A_86 : memref<100096xf32, #tpu.memory_space<hbm>>) dst(%dma_wait3A_78 : memref<128xf32, #tpu.memory_space<vmem>>)
    %dma_wait3A_87 = arith.constant 0 : i32
    %dma_wait3A_88 = arith.constant 3 : i32
    %dma_wait3A_89 = arith.constant 384 : i32
    %dma_wait3A_90 = tpu.memref_slice %arg9[%dma_wait3A_89] : memref<512xf32, #tpu.memory_space<vmem>> -> memref<128xf32, #tpu.memory_space<vmem>>
    %dma_wait3A_91 = arith.constant 0 : i32
    %dma_wait3A_92 = tpu.memref_slice %arg8[%dma_wait3A_88, %dma_wait3A_91] : memref<4x128xi32, #tpu.memory_space<vmem>> -> memref<1x128xi32, #tpu.memory_space<vmem>>
    %dma_wait3A_93 = tpu.memref_squeeze %dma_wait3A_92 : memref<1x128xi32, #tpu.memory_space<vmem>> -> memref<128xi32, #tpu.memory_space<vmem>>
    %dma_wait3A_94 = arith.constant 0 : i32
    %dma_wait3A_95 = tpu.memref_slice %arg2[%dma_wait3A_87, %dma_wait3A_94] : memref<8x100096xf32, #tpu.memory_space<hbm>> -> memref<1x100096xf32, #tpu.memory_space<hbm>>
    %dma_wait3A_96 = tpu.memref_squeeze %dma_wait3A_95 : memref<1x100096xf32, #tpu.memory_space<hbm>> -> memref<100096xf32, #tpu.memory_space<hbm>>
    %dma_wait3A_97 = arith.constant 0 : i32
    %dma_wait3A_98 = tpu.memref_slice %dma_wait3A_96[%dma_wait3A_97] : memref<100096xf32, #tpu.memory_space<hbm>> -> memref<100096xf32, #tpu.memory_space<hbm>>
    tpu.wait_indirect_dma semaphore(%arg10 : memref<!tpu.dma_semaphore, #tpu.memory_space<semaphore_mem>>) src(%dma_wait3A_98 : memref<100096xf32, #tpu.memory_space<hbm>>) dst(%dma_wait3A_90 : memref<128xf32, #tpu.memory_space<vmem>>)
    %run_scoped3A = arith.constant 0 : i32
    "tpu.region"() ({
      %run_scoped3A_390 = tpu.sem_alloc : memref<!tpu.dma_semaphore, #tpu.memory_space<semaphore_mem>>
      %dma_start3A_391 = tpu.memref_slice %arg7[%run_scoped3A, %mul3A_4] : memref<8x16384xf32, #tpu.memory_space<hbm>> -> memref<1x512xf32, #tpu.memory_space<hbm>>
      %dma_start3A_392 = tpu.memref_squeeze %dma_start3A_391 : memref<1x512xf32, #tpu.memory_space<hbm>> -> memref<512xf32, #tpu.memory_space<hbm>>
      %dma_start3A_393 = tpu.memref_slice %arg7[%run_scoped3A, %mul3A_4] : memref<8x16384xf32, #tpu.memory_space<hbm>> -> memref<1x512xf32, #tpu.memory_space<hbm>>
      %dma_start3A_394 = tpu.memref_squeeze %dma_start3A_393 : memref<1x512xf32, #tpu.memory_space<hbm>> -> memref<512xf32, #tpu.memory_space<hbm>>
      tpu.enqueue_dma source(%arg9 : memref<512xf32, #tpu.memory_space<vmem>>) target(%dma_start3A_394 : memref<512xf32, #tpu.memory_space<hbm>>) target_semaphore(%run_scoped3A_390 : memref<!tpu.dma_semaphore, #tpu.memory_space<semaphore_mem>>)
      %dma_wait3A_395 = tpu.memref_slice %arg7[%run_scoped3A, %mul3A_4] : memref<8x16384xf32, #tpu.memory_space<hbm>> -> memref<1x512xf32, #tpu.memory_space<hbm>>
      %dma_wait3A_396 = tpu.memref_squeeze %dma_wait3A_395 : memref<1x512xf32, #tpu.memory_space<hbm>> -> memref<512xf32, #tpu.memory_space<hbm>>
      %dma_wait3A_397 = tpu.memref_slice %arg7[%run_scoped3A, %mul3A_4] : memref<8x16384xf32, #tpu.memory_space<hbm>> -> memref<1x512xf32, #tpu.memory_space<hbm>>
      %dma_wait3A_398 = tpu.memref_squeeze %dma_wait3A_397 : memref<1x512xf32, #tpu.memory_space<hbm>> -> memref<512xf32, #tpu.memory_space<hbm>>
      tpu.wait_dma2 semaphore(%run_scoped3A_390 : memref<!tpu.dma_semaphore, #tpu.memory_space<semaphore_mem>>) src(%arg9 : memref<512xf32, #tpu.memory_space<vmem>>) dst(%dma_wait3A_398 : memref<512xf32, #tpu.memory_space<hbm>>)
      tpu.yield
    }) : () -> ()
    "tpu.region"() ({
      %run_scoped3A_390 = tpu.sem_alloc : memref<!tpu.dma_semaphore, #tpu.memory_space<semaphore_mem>>
      %dma_start3A_391 = arith.constant 0 : i32
      %dma_start3A_392 = tpu.memref_slice %arg4[%mul3A_2, %dma_start3A_391] : memref<128x128xi32, #tpu.memory_space<hbm>> -> memref<4x128xi32, #tpu.memory_space<hbm>>
      %dma_start3A_393 = arith.constant 0 : i32
      %dma_start3A_394 = tpu.memref_slice %arg4[%mul3A_2, %dma_start3A_393] : memref<128x128xi32, #tpu.memory_space<hbm>> -> memref<4x128xi32, #tpu.memory_space<hbm>>
      tpu.enqueue_dma source(%dma_start3A_394 : memref<4x128xi32, #tpu.memory_space<hbm>>) target(%arg8 : memref<4x128xi32, #tpu.memory_space<vmem>>) target_semaphore(%run_scoped3A_390 : memref<!tpu.dma_semaphore, #tpu.memory_space<semaphore_mem>>)
      %dma_wait3A_395 = arith.constant 0 : i32
      %dma_wait3A_396 = tpu.memref_slice %arg4[%mul3A_2, %dma_wait3A_395] : memref<128x128xi32, #tpu.memory_space<hbm>> -> memref<4x128xi32, #tpu.memory_space<hbm>>
      %dma_wait3A_397 = arith.constant 0 : i32
      %dma_wait3A_398 = tpu.memref_slice %arg4[%mul3A_2, %dma_wait3A_397] : memref<128x128xi32, #tpu.memory_space<hbm>> -> memref<4x128xi32, #tpu.memory_space<hbm>>
      tpu.wait_dma2 semaphore(%run_scoped3A_390 : memref<!tpu.dma_semaphore, #tpu.memory_space<semaphore_mem>>) src(%dma_wait3A_398 : memref<4x128xi32, #tpu.memory_space<hbm>>) dst(%arg8 : memref<4x128xi32, #tpu.memory_space<vmem>>)
      tpu.yield
    }) : () -> ()
    %dma_start3A_99 = arith.constant 0 : i32
    %dma_start3A_100 = arith.constant 0 : i32
    %dma_start3A_101 = arith.constant 0 : i32
    %dma_start3A_102 = tpu.memref_slice %arg9[%dma_start3A_101] : memref<512xf32, #tpu.memory_space<vmem>> -> memref<128xf32, #tpu.memory_space<vmem>>
    %dma_start3A_103 = arith.constant 0 : i32
    %dma_start3A_104 = tpu.memref_slice %arg8[%dma_start3A_100, %dma_start3A_103] : memref<4x128xi32, #tpu.memory_space<vmem>> -> memref<1x128xi32, #tpu.memory_space<vmem>>
    %dma_start3A_105 = tpu.memref_squeeze %dma_start3A_104 : memref<1x128xi32, #tpu.memory_space<vmem>> -> memref<128xi32, #tpu.memory_space<vmem>>
    %dma_start3A_106 = arith.constant 0 : i32
    %dma_start3A_107 = tpu.memref_slice %arg2[%dma_start3A_99, %dma_start3A_106] : memref<8x100096xf32, #tpu.memory_space<hbm>> -> memref<1x100096xf32, #tpu.memory_space<hbm>>
    %dma_start3A_108 = tpu.memref_squeeze %dma_start3A_107 : memref<1x100096xf32, #tpu.memory_space<hbm>> -> memref<100096xf32, #tpu.memory_space<hbm>>
    %dma_start3A_109 = arith.constant 0 : i32
    %dma_start3A_110 = tpu.memref_slice %dma_start3A_108[%dma_start3A_109] : memref<100096xf32, #tpu.memory_space<hbm>> -> memref<100096xf32, #tpu.memory_space<hbm>>
    tpu.enqueue_indirect_dma source(%dma_start3A_110 : memref<100096xf32, #tpu.memory_space<hbm>>) target(%dma_start3A_102 : memref<128xf32, #tpu.memory_space<vmem>>) offsets(%dma_start3A_105 : memref<128xi32, #tpu.memory_space<vmem>>) semaphore(%arg10 : memref<!tpu.dma_semaphore, #tpu.memory_space<semaphore_mem>>)
    %dma_start3A_111 = arith.constant 0 : i32
    %dma_start3A_112 = arith.constant 1 : i32
    %dma_start3A_113 = arith.constant 128 : i32
    %dma_start3A_114 = tpu.memref_slice %arg9[%dma_start3A_113] : memref<512xf32, #tpu.memory_space<vmem>> -> memref<128xf32, #tpu.memory_space<vmem>>
    %dma_start3A_115 = arith.constant 0 : i32
    %dma_start3A_116 = tpu.memref_slice %arg8[%dma_start3A_112, %dma_start3A_115] : memref<4x128xi32, #tpu.memory_space<vmem>> -> memref<1x128xi32, #tpu.memory_space<vmem>>
    %dma_start3A_117 = tpu.memref_squeeze %dma_start3A_116 : memref<1x128xi32, #tpu.memory_space<vmem>> -> memref<128xi32, #tpu.memory_space<vmem>>
    %dma_start3A_118 = arith.constant 0 : i32
    %dma_start3A_119 = tpu.memref_slice %arg2[%dma_start3A_111, %dma_start3A_118] : memref<8x100096xf32, #tpu.memory_space<hbm>> -> memref<1x100096xf32, #tpu.memory_space<hbm>>
    %dma_start3A_120 = tpu.memref_squeeze %dma_start3A_119 : memref<1x100096xf32, #tpu.memory_space<hbm>> -> memref<100096xf32, #tpu.memory_space<hbm>>
    %dma_start3A_121 = arith.constant 0 : i32
    %dma_start3A_122 = tpu.memref_slice %dma_start3A_120[%dma_start3A_121] : memref<100096xf32, #tpu.memory_space<hbm>> -> memref<100096xf32, #tpu.memory_space<hbm>>
    tpu.enqueue_indirect_dma source(%dma_start3A_122 : memref<100096xf32, #tpu.memory_space<hbm>>) target(%dma_start3A_114 : memref<128xf32, #tpu.memory_space<vmem>>) offsets(%dma_start3A_117 : memref<128xi32, #tpu.memory_space<vmem>>) semaphore(%arg10 : memref<!tpu.dma_semaphore, #tpu.memory_space<semaphore_mem>>)
    %dma_start3A_123 = arith.constant 0 : i32
    %dma_start3A_124 = arith.constant 2 : i32
    %dma_start3A_125 = arith.constant 256 : i32
    %dma_start3A_126 = tpu.memref_slice %arg9[%dma_start3A_125] : memref<512xf32, #tpu.memory_space<vmem>> -> memref<128xf32, #tpu.memory_space<vmem>>
    %dma_start3A_127 = arith.constant 0 : i32
    %dma_start3A_128 = tpu.memref_slice %arg8[%dma_start3A_124, %dma_start3A_127] : memref<4x128xi32, #tpu.memory_space<vmem>> -> memref<1x128xi32, #tpu.memory_space<vmem>>
    %dma_start3A_129 = tpu.memref_squeeze %dma_start3A_128 : memref<1x128xi32, #tpu.memory_space<vmem>> -> memref<128xi32, #tpu.memory_space<vmem>>
    %dma_start3A_130 = arith.constant 0 : i32
    %dma_start3A_131 = tpu.memref_slice %arg2[%dma_start3A_123, %dma_start3A_130] : memref<8x100096xf32, #tpu.memory_space<hbm>> -> memref<1x100096xf32, #tpu.memory_space<hbm>>
    %dma_start3A_132 = tpu.memref_squeeze %dma_start3A_131 : memref<1x100096xf32, #tpu.memory_space<hbm>> -> memref<100096xf32, #tpu.memory_space<hbm>>
    %dma_start3A_133 = arith.constant 0 : i32
    %dma_start3A_134 = tpu.memref_slice %dma_start3A_132[%dma_start3A_133] : memref<100096xf32, #tpu.memory_space<hbm>> -> memref<100096xf32, #tpu.memory_space<hbm>>
    tpu.enqueue_indirect_dma source(%dma_start3A_134 : memref<100096xf32, #tpu.memory_space<hbm>>) target(%dma_start3A_126 : memref<128xf32, #tpu.memory_space<vmem>>) offsets(%dma_start3A_129 : memref<128xi32, #tpu.memory_space<vmem>>) semaphore(%arg10 : memref<!tpu.dma_semaphore, #tpu.memory_space<semaphore_mem>>)
    %dma_start3A_135 = arith.constant 0 : i32
    %dma_start3A_136 = arith.constant 3 : i32
    %dma_start3A_137 = arith.constant 384 : i32
    %dma_start3A_138 = tpu.memref_slice %arg9[%dma_start3A_137] : memref<512xf32, #tpu.memory_space<vmem>> -> memref<128xf32, #tpu.memory_space<vmem>>
    %dma_start3A_139 = arith.constant 0 : i32
    %dma_start3A_140 = tpu.memref_slice %arg8[%dma_start3A_136, %dma_start3A_139] : memref<4x128xi32, #tpu.memory_space<vmem>> -> memref<1x128xi32, #tpu.memory_space<vmem>>
    %dma_start3A_141 = tpu.memref_squeeze %dma_start3A_140 : memref<1x128xi32, #tpu.memory_space<vmem>> -> memref<128xi32, #tpu.memory_space<vmem>>
    %dma_start3A_142 = arith.constant 0 : i32
    %dma_start3A_143 = tpu.memref_slice %arg2[%dma_start3A_135, %dma_start3A_142] : memref<8x100096xf32, #tpu.memory_space<hbm>> -> memref<1x100096xf32, #tpu.memory_space<hbm>>
    %dma_start3A_144 = tpu.memref_squeeze %dma_start3A_143 : memref<1x100096xf32, #tpu.memory_space<hbm>> -> memref<100096xf32, #tpu.memory_space<hbm>>
    %dma_start3A_145 = arith.constant 0 : i32
    %dma_start3A_146 = tpu.memref_slice %dma_start3A_144[%dma_start3A_145] : memref<100096xf32, #tpu.memory_space<hbm>> -> memref<100096xf32, #tpu.memory_space<hbm>>
    tpu.enqueue_indirect_dma source(%dma_start3A_146 : memref<100096xf32, #tpu.memory_space<hbm>>) target(%dma_start3A_138 : memref<128xf32, #tpu.memory_space<vmem>>) offsets(%dma_start3A_141 : memref<128xi32, #tpu.memory_space<vmem>>) semaphore(%arg10 : memref<!tpu.dma_semaphore, #tpu.memory_space<semaphore_mem>>)
    %dma_wait3A_147 = arith.constant 0 : i32
    %dma_wait3A_148 = arith.constant 0 : i32
    %dma_wait3A_149 = arith.constant 0 : i32
    %dma_wait3A_150 = tpu.memref_slice %arg9[%dma_wait3A_149] : memref<512xf32, #tpu.memory_space<vmem>> -> memref<128xf32, #tpu.memory_space<vmem>>
    %dma_wait3A_151 = arith.constant 0 : i32
    %dma_wait3A_152 = tpu.memref_slice %arg8[%dma_wait3A_148, %dma_wait3A_151] : memref<4x128xi32, #tpu.memory_space<vmem>> -> memref<1x128xi32, #tpu.memory_space<vmem>>
    %dma_wait3A_153 = tpu.memref_squeeze %dma_wait3A_152 : memref<1x128xi32, #tpu.memory_space<vmem>> -> memref<128xi32, #tpu.memory_space<vmem>>
    %dma_wait3A_154 = arith.constant 0 : i32
    %dma_wait3A_155 = tpu.memref_slice %arg2[%dma_wait3A_147, %dma_wait3A_154] : memref<8x100096xf32, #tpu.memory_space<hbm>> -> memref<1x100096xf32, #tpu.memory_space<hbm>>
    %dma_wait3A_156 = tpu.memref_squeeze %dma_wait3A_155 : memref<1x100096xf32, #tpu.memory_space<hbm>> -> memref<100096xf32, #tpu.memory_space<hbm>>
    %dma_wait3A_157 = arith.constant 0 : i32
    %dma_wait3A_158 = tpu.memref_slice %dma_wait3A_156[%dma_wait3A_157] : memref<100096xf32, #tpu.memory_space<hbm>> -> memref<100096xf32, #tpu.memory_space<hbm>>
    tpu.wait_indirect_dma semaphore(%arg10 : memref<!tpu.dma_semaphore, #tpu.memory_space<semaphore_mem>>) src(%dma_wait3A_158 : memref<100096xf32, #tpu.memory_space<hbm>>) dst(%dma_wait3A_150 : memref<128xf32, #tpu.memory_space<vmem>>)
    %dma_wait3A_159 = arith.constant 0 : i32
    %dma_wait3A_160 = arith.constant 1 : i32
    %dma_wait3A_161 = arith.constant 128 : i32
    %dma_wait3A_162 = tpu.memref_slice %arg9[%dma_wait3A_161] : memref<512xf32, #tpu.memory_space<vmem>> -> memref<128xf32, #tpu.memory_space<vmem>>
    %dma_wait3A_163 = arith.constant 0 : i32
    %dma_wait3A_164 = tpu.memref_slice %arg8[%dma_wait3A_160, %dma_wait3A_163] : memref<4x128xi32, #tpu.memory_space<vmem>> -> memref<1x128xi32, #tpu.memory_space<vmem>>
    %dma_wait3A_165 = tpu.memref_squeeze %dma_wait3A_164 : memref<1x128xi32, #tpu.memory_space<vmem>> -> memref<128xi32, #tpu.memory_space<vmem>>
    %dma_wait3A_166 = arith.constant 0 : i32
    %dma_wait3A_167 = tpu.memref_slice %arg2[%dma_wait3A_159, %dma_wait3A_166] : memref<8x100096xf32, #tpu.memory_space<hbm>> -> memref<1x100096xf32, #tpu.memory_space<hbm>>
    %dma_wait3A_168 = tpu.memref_squeeze %dma_wait3A_167 : memref<1x100096xf32, #tpu.memory_space<hbm>> -> memref<100096xf32, #tpu.memory_space<hbm>>
    %dma_wait3A_169 = arith.constant 0 : i32
    %dma_wait3A_170 = tpu.memref_slice %dma_wait3A_168[%dma_wait3A_169] : memref<100096xf32, #tpu.memory_space<hbm>> -> memref<100096xf32, #tpu.memory_space<hbm>>
    tpu.wait_indirect_dma semaphore(%arg10 : memref<!tpu.dma_semaphore, #tpu.memory_space<semaphore_mem>>) src(%dma_wait3A_170 : memref<100096xf32, #tpu.memory_space<hbm>>) dst(%dma_wait3A_162 : memref<128xf32, #tpu.memory_space<vmem>>)
    %dma_wait3A_171 = arith.constant 0 : i32
    %dma_wait3A_172 = arith.constant 2 : i32
    %dma_wait3A_173 = arith.constant 256 : i32
    %dma_wait3A_174 = tpu.memref_slice %arg9[%dma_wait3A_173] : memref<512xf32, #tpu.memory_space<vmem>> -> memref<128xf32, #tpu.memory_space<vmem>>
    %dma_wait3A_175 = arith.constant 0 : i32
    %dma_wait3A_176 = tpu.memref_slice %arg8[%dma_wait3A_172, %dma_wait3A_175] : memref<4x128xi32, #tpu.memory_space<vmem>> -> memref<1x128xi32, #tpu.memory_space<vmem>>
    %dma_wait3A_177 = tpu.memref_squeeze %dma_wait3A_176 : memref<1x128xi32, #tpu.memory_space<vmem>> -> memref<128xi32, #tpu.memory_space<vmem>>
    %dma_wait3A_178 = arith.constant 0 : i32
    %dma_wait3A_179 = tpu.memref_slice %arg2[%dma_wait3A_171, %dma_wait3A_178] : memref<8x100096xf32, #tpu.memory_space<hbm>> -> memref<1x100096xf32, #tpu.memory_space<hbm>>
    %dma_wait3A_180 = tpu.memref_squeeze %dma_wait3A_179 : memref<1x100096xf32, #tpu.memory_space<hbm>> -> memref<100096xf32, #tpu.memory_space<hbm>>
    %dma_wait3A_181 = arith.constant 0 : i32
    %dma_wait3A_182 = tpu.memref_slice %dma_wait3A_180[%dma_wait3A_181] : memref<100096xf32, #tpu.memory_space<hbm>> -> memref<100096xf32, #tpu.memory_space<hbm>>
    tpu.wait_indirect_dma semaphore(%arg10 : memref<!tpu.dma_semaphore, #tpu.memory_space<semaphore_mem>>) src(%dma_wait3A_182 : memref<100096xf32, #tpu.memory_space<hbm>>) dst(%dma_wait3A_174 : memref<128xf32, #tpu.memory_space<vmem>>)
    %dma_wait3A_183 = arith.constant 0 : i32
    %dma_wait3A_184 = arith.constant 3 : i32
    %dma_wait3A_185 = arith.constant 384 : i32
    %dma_wait3A_186 = tpu.memref_slice %arg9[%dma_wait3A_185] : memref<512xf32, #tpu.memory_space<vmem>> -> memref<128xf32, #tpu.memory_space<vmem>>
    %dma_wait3A_187 = arith.constant 0 : i32
    %dma_wait3A_188 = tpu.memref_slice %arg8[%dma_wait3A_184, %dma_wait3A_187] : memref<4x128xi32, #tpu.memory_space<vmem>> -> memref<1x128xi32, #tpu.memory_space<vmem>>
    %dma_wait3A_189 = tpu.memref_squeeze %dma_wait3A_188 : memref<1x128xi32, #tpu.memory_space<vmem>> -> memref<128xi32, #tpu.memory_space<vmem>>
    %dma_wait3A_190 = arith.constant 0 : i32
    %dma_wait3A_191 = tpu.memref_slice %arg2[%dma_wait3A_183, %dma_wait3A_190] : memref<8x100096xf32, #tpu.memory_space<hbm>> -> memref<1x100096xf32, #tpu.memory_space<hbm>>
    %dma_wait3A_192 = tpu.memref_squeeze %dma_wait3A_191 : memref<1x100096xf32, #tpu.memory_space<hbm>> -> memref<100096xf32, #tpu.memory_space<hbm>>
    %dma_wait3A_193 = arith.constant 0 : i32
    %dma_wait3A_194 = tpu.memref_slice %dma_wait3A_192[%dma_wait3A_193] : memref<100096xf32, #tpu.memory_space<hbm>> -> memref<100096xf32, #tpu.memory_space<hbm>>
    tpu.wait_indirect_dma semaphore(%arg10 : memref<!tpu.dma_semaphore, #tpu.memory_space<semaphore_mem>>) src(%dma_wait3A_194 : memref<100096xf32, #tpu.memory_space<hbm>>) dst(%dma_wait3A_186 : memref<128xf32, #tpu.memory_space<vmem>>)
    %run_scoped3A_195 = arith.constant 1 : i32
    "tpu.region"() ({
      %run_scoped3A_390 = tpu.sem_alloc : memref<!tpu.dma_semaphore, #tpu.memory_space<semaphore_mem>>
      %dma_start3A_391 = tpu.memref_slice %arg7[%run_scoped3A_195, %mul3A_4] : memref<8x16384xf32, #tpu.memory_space<hbm>> -> memref<1x512xf32, #tpu.memory_space<hbm>>
      %dma_start3A_392 = tpu.memref_squeeze %dma_start3A_391 : memref<1x512xf32, #tpu.memory_space<hbm>> -> memref<512xf32, #tpu.memory_space<hbm>>
      %dma_start3A_393 = tpu.memref_slice %arg7[%run_scoped3A_195, %mul3A_4] : memref<8x16384xf32, #tpu.memory_space<hbm>> -> memref<1x512xf32, #tpu.memory_space<hbm>>
      %dma_start3A_394 = tpu.memref_squeeze %dma_start3A_393 : memref<1x512xf32, #tpu.memory_space<hbm>> -> memref<512xf32, #tpu.memory_space<hbm>>
      tpu.enqueue_dma source(%arg9 : memref<512xf32, #tpu.memory_space<vmem>>) target(%dma_start3A_394 : memref<512xf32, #tpu.memory_space<hbm>>) target_semaphore(%run_scoped3A_390 : memref<!tpu.dma_semaphore, #tpu.memory_space<semaphore_mem>>)
      %dma_wait3A_395 = tpu.memref_slice %arg7[%run_scoped3A_195, %mul3A_4] : memref<8x16384xf32, #tpu.memory_space<hbm>> -> memref<1x512xf32, #tpu.memory_space<hbm>>
      %dma_wait3A_396 = tpu.memref_squeeze %dma_wait3A_395 : memref<1x512xf32, #tpu.memory_space<hbm>> -> memref<512xf32, #tpu.memory_space<hbm>>
      %dma_wait3A_397 = tpu.memref_slice %arg7[%run_scoped3A_195, %mul3A_4] : memref<8x16384xf32, #tpu.memory_space<hbm>> -> memref<1x512xf32, #tpu.memory_space<hbm>>
      %dma_wait3A_398 = tpu.memref_squeeze %dma_wait3A_397 : memref<1x512xf32, #tpu.memory_space<hbm>> -> memref<512xf32, #tpu.memory_space<hbm>>
      tpu.wait_dma2 semaphore(%run_scoped3A_390 : memref<!tpu.dma_semaphore, #tpu.memory_space<semaphore_mem>>) src(%arg9 : memref<512xf32, #tpu.memory_space<vmem>>) dst(%dma_wait3A_398 : memref<512xf32, #tpu.memory_space<hbm>>)
      tpu.yield
    }) : () -> ()
    "tpu.region"() ({
      %run_scoped3A_390 = tpu.sem_alloc : memref<!tpu.dma_semaphore, #tpu.memory_space<semaphore_mem>>
      %dma_start3A_391 = arith.constant 0 : i32
      %dma_start3A_392 = tpu.memref_slice %arg5[%mul3A_2, %dma_start3A_391] : memref<128x128xi32, #tpu.memory_space<hbm>> -> memref<4x128xi32, #tpu.memory_space<hbm>>
      %dma_start3A_393 = arith.constant 0 : i32
      %dma_start3A_394 = tpu.memref_slice %arg5[%mul3A_2, %dma_start3A_393] : memref<128x128xi32, #tpu.memory_space<hbm>> -> memref<4x128xi32, #tpu.memory_space<hbm>>
      tpu.enqueue_dma source(%dma_start3A_394 : memref<4x128xi32, #tpu.memory_space<hbm>>) target(%arg8 : memref<4x128xi32, #tpu.memory_space<vmem>>) target_semaphore(%run_scoped3A_390 : memref<!tpu.dma_semaphore, #tpu.memory_space<semaphore_mem>>)
      %dma_wait3A_395 = arith.constant 0 : i32
      %dma_wait3A_396 = tpu.memref_slice %arg5[%mul3A_2, %dma_wait3A_395] : memref<128x128xi32, #tpu.memory_space<hbm>> -> memref<4x128xi32, #tpu.memory_space<hbm>>
      %dma_wait3A_397 = arith.constant 0 : i32
      %dma_wait3A_398 = tpu.memref_slice %arg5[%mul3A_2, %dma_wait3A_397] : memref<128x128xi32, #tpu.memory_space<hbm>> -> memref<4x128xi32, #tpu.memory_space<hbm>>
      tpu.wait_dma2 semaphore(%run_scoped3A_390 : memref<!tpu.dma_semaphore, #tpu.memory_space<semaphore_mem>>) src(%dma_wait3A_398 : memref<4x128xi32, #tpu.memory_space<hbm>>) dst(%arg8 : memref<4x128xi32, #tpu.memory_space<vmem>>)
      tpu.yield
    }) : () -> ()
    %dma_start3A_196 = arith.constant 1 : i32
    %dma_start3A_197 = arith.constant 0 : i32
    %dma_start3A_198 = arith.constant 0 : i32
    %dma_start3A_199 = tpu.memref_slice %arg9[%dma_start3A_198] : memref<512xf32, #tpu.memory_space<vmem>> -> memref<128xf32, #tpu.memory_space<vmem>>
    %dma_start3A_200 = arith.constant 0 : i32
    %dma_start3A_201 = tpu.memref_slice %arg8[%dma_start3A_197, %dma_start3A_200] : memref<4x128xi32, #tpu.memory_space<vmem>> -> memref<1x128xi32, #tpu.memory_space<vmem>>
    %dma_start3A_202 = tpu.memref_squeeze %dma_start3A_201 : memref<1x128xi32, #tpu.memory_space<vmem>> -> memref<128xi32, #tpu.memory_space<vmem>>
    %dma_start3A_203 = arith.constant 0 : i32
    %dma_start3A_204 = tpu.memref_slice %arg2[%dma_start3A_196, %dma_start3A_203] : memref<8x100096xf32, #tpu.memory_space<hbm>> -> memref<1x100096xf32, #tpu.memory_space<hbm>>
    %dma_start3A_205 = tpu.memref_squeeze %dma_start3A_204 : memref<1x100096xf32, #tpu.memory_space<hbm>> -> memref<100096xf32, #tpu.memory_space<hbm>>
    %dma_start3A_206 = arith.constant 0 : i32
    %dma_start3A_207 = tpu.memref_slice %dma_start3A_205[%dma_start3A_206] : memref<100096xf32, #tpu.memory_space<hbm>> -> memref<100096xf32, #tpu.memory_space<hbm>>
    tpu.enqueue_indirect_dma source(%dma_start3A_207 : memref<100096xf32, #tpu.memory_space<hbm>>) target(%dma_start3A_199 : memref<128xf32, #tpu.memory_space<vmem>>) offsets(%dma_start3A_202 : memref<128xi32, #tpu.memory_space<vmem>>) semaphore(%arg10 : memref<!tpu.dma_semaphore, #tpu.memory_space<semaphore_mem>>)
    %dma_start3A_208 = arith.constant 1 : i32
    %dma_start3A_209 = arith.constant 1 : i32
    %dma_start3A_210 = arith.constant 128 : i32
    %dma_start3A_211 = tpu.memref_slice %arg9[%dma_start3A_210] : memref<512xf32, #tpu.memory_space<vmem>> -> memref<128xf32, #tpu.memory_space<vmem>>
    %dma_start3A_212 = arith.constant 0 : i32
    %dma_start3A_213 = tpu.memref_slice %arg8[%dma_start3A_209, %dma_start3A_212] : memref<4x128xi32, #tpu.memory_space<vmem>> -> memref<1x128xi32, #tpu.memory_space<vmem>>
    %dma_start3A_214 = tpu.memref_squeeze %dma_start3A_213 : memref<1x128xi32, #tpu.memory_space<vmem>> -> memref<128xi32, #tpu.memory_space<vmem>>
    %dma_start3A_215 = arith.constant 0 : i32
    %dma_start3A_216 = tpu.memref_slice %arg2[%dma_start3A_208, %dma_start3A_215] : memref<8x100096xf32, #tpu.memory_space<hbm>> -> memref<1x100096xf32, #tpu.memory_space<hbm>>
    %dma_start3A_217 = tpu.memref_squeeze %dma_start3A_216 : memref<1x100096xf32, #tpu.memory_space<hbm>> -> memref<100096xf32, #tpu.memory_space<hbm>>
    %dma_start3A_218 = arith.constant 0 : i32
    %dma_start3A_219 = tpu.memref_slice %dma_start3A_217[%dma_start3A_218] : memref<100096xf32, #tpu.memory_space<hbm>> -> memref<100096xf32, #tpu.memory_space<hbm>>
    tpu.enqueue_indirect_dma source(%dma_start3A_219 : memref<100096xf32, #tpu.memory_space<hbm>>) target(%dma_start3A_211 : memref<128xf32, #tpu.memory_space<vmem>>) offsets(%dma_start3A_214 : memref<128xi32, #tpu.memory_space<vmem>>) semaphore(%arg10 : memref<!tpu.dma_semaphore, #tpu.memory_space<semaphore_mem>>)
    %dma_start3A_220 = arith.constant 1 : i32
    %dma_start3A_221 = arith.constant 2 : i32
    %dma_start3A_222 = arith.constant 256 : i32
    %dma_start3A_223 = tpu.memref_slice %arg9[%dma_start3A_222] : memref<512xf32, #tpu.memory_space<vmem>> -> memref<128xf32, #tpu.memory_space<vmem>>
    %dma_start3A_224 = arith.constant 0 : i32
    %dma_start3A_225 = tpu.memref_slice %arg8[%dma_start3A_221, %dma_start3A_224] : memref<4x128xi32, #tpu.memory_space<vmem>> -> memref<1x128xi32, #tpu.memory_space<vmem>>
    %dma_start3A_226 = tpu.memref_squeeze %dma_start3A_225 : memref<1x128xi32, #tpu.memory_space<vmem>> -> memref<128xi32, #tpu.memory_space<vmem>>
    %dma_start3A_227 = arith.constant 0 : i32
    %dma_start3A_228 = tpu.memref_slice %arg2[%dma_start3A_220, %dma_start3A_227] : memref<8x100096xf32, #tpu.memory_space<hbm>> -> memref<1x100096xf32, #tpu.memory_space<hbm>>
    %dma_start3A_229 = tpu.memref_squeeze %dma_start3A_228 : memref<1x100096xf32, #tpu.memory_space<hbm>> -> memref<100096xf32, #tpu.memory_space<hbm>>
    %dma_start3A_230 = arith.constant 0 : i32
    %dma_start3A_231 = tpu.memref_slice %dma_start3A_229[%dma_start3A_230] : memref<100096xf32, #tpu.memory_space<hbm>> -> memref<100096xf32, #tpu.memory_space<hbm>>
    tpu.enqueue_indirect_dma source(%dma_start3A_231 : memref<100096xf32, #tpu.memory_space<hbm>>) target(%dma_start3A_223 : memref<128xf32, #tpu.memory_space<vmem>>) offsets(%dma_start3A_226 : memref<128xi32, #tpu.memory_space<vmem>>) semaphore(%arg10 : memref<!tpu.dma_semaphore, #tpu.memory_space<semaphore_mem>>)
    %dma_start3A_232 = arith.constant 1 : i32
    %dma_start3A_233 = arith.constant 3 : i32
    %dma_start3A_234 = arith.constant 384 : i32
    %dma_start3A_235 = tpu.memref_slice %arg9[%dma_start3A_234] : memref<512xf32, #tpu.memory_space<vmem>> -> memref<128xf32, #tpu.memory_space<vmem>>
    %dma_start3A_236 = arith.constant 0 : i32
    %dma_start3A_237 = tpu.memref_slice %arg8[%dma_start3A_233, %dma_start3A_236] : memref<4x128xi32, #tpu.memory_space<vmem>> -> memref<1x128xi32, #tpu.memory_space<vmem>>
    %dma_start3A_238 = tpu.memref_squeeze %dma_start3A_237 : memref<1x128xi32, #tpu.memory_space<vmem>> -> memref<128xi32, #tpu.memory_space<vmem>>
    %dma_start3A_239 = arith.constant 0 : i32
    %dma_start3A_240 = tpu.memref_slice %arg2[%dma_start3A_232, %dma_start3A_239] : memref<8x100096xf32, #tpu.memory_space<hbm>> -> memref<1x100096xf32, #tpu.memory_space<hbm>>
    %dma_start3A_241 = tpu.memref_squeeze %dma_start3A_240 : memref<1x100096xf32, #tpu.memory_space<hbm>> -> memref<100096xf32, #tpu.memory_space<hbm>>
    %dma_start3A_242 = arith.constant 0 : i32
    %dma_start3A_243 = tpu.memref_slice %dma_start3A_241[%dma_start3A_242] : memref<100096xf32, #tpu.memory_space<hbm>> -> memref<100096xf32, #tpu.memory_space<hbm>>
    tpu.enqueue_indirect_dma source(%dma_start3A_243 : memref<100096xf32, #tpu.memory_space<hbm>>) target(%dma_start3A_235 : memref<128xf32, #tpu.memory_space<vmem>>) offsets(%dma_start3A_238 : memref<128xi32, #tpu.memory_space<vmem>>) semaphore(%arg10 : memref<!tpu.dma_semaphore, #tpu.memory_space<semaphore_mem>>)
    %dma_wait3A_244 = arith.constant 1 : i32
    %dma_wait3A_245 = arith.constant 0 : i32
    %dma_wait3A_246 = arith.constant 0 : i32
    %dma_wait3A_247 = tpu.memref_slice %arg9[%dma_wait3A_246] : memref<512xf32, #tpu.memory_space<vmem>> -> memref<128xf32, #tpu.memory_space<vmem>>
    %dma_wait3A_248 = arith.constant 0 : i32
    %dma_wait3A_249 = tpu.memref_slice %arg8[%dma_wait3A_245, %dma_wait3A_248] : memref<4x128xi32, #tpu.memory_space<vmem>> -> memref<1x128xi32, #tpu.memory_space<vmem>>
    %dma_wait3A_250 = tpu.memref_squeeze %dma_wait3A_249 : memref<1x128xi32, #tpu.memory_space<vmem>> -> memref<128xi32, #tpu.memory_space<vmem>>
    %dma_wait3A_251 = arith.constant 0 : i32
    %dma_wait3A_252 = tpu.memref_slice %arg2[%dma_wait3A_244, %dma_wait3A_251] : memref<8x100096xf32, #tpu.memory_space<hbm>> -> memref<1x100096xf32, #tpu.memory_space<hbm>>
    %dma_wait3A_253 = tpu.memref_squeeze %dma_wait3A_252 : memref<1x100096xf32, #tpu.memory_space<hbm>> -> memref<100096xf32, #tpu.memory_space<hbm>>
    %dma_wait3A_254 = arith.constant 0 : i32
    %dma_wait3A_255 = tpu.memref_slice %dma_wait3A_253[%dma_wait3A_254] : memref<100096xf32, #tpu.memory_space<hbm>> -> memref<100096xf32, #tpu.memory_space<hbm>>
    tpu.wait_indirect_dma semaphore(%arg10 : memref<!tpu.dma_semaphore, #tpu.memory_space<semaphore_mem>>) src(%dma_wait3A_255 : memref<100096xf32, #tpu.memory_space<hbm>>) dst(%dma_wait3A_247 : memref<128xf32, #tpu.memory_space<vmem>>)
    %dma_wait3A_256 = arith.constant 1 : i32
    %dma_wait3A_257 = arith.constant 1 : i32
    %dma_wait3A_258 = arith.constant 128 : i32
    %dma_wait3A_259 = tpu.memref_slice %arg9[%dma_wait3A_258] : memref<512xf32, #tpu.memory_space<vmem>> -> memref<128xf32, #tpu.memory_space<vmem>>
    %dma_wait3A_260 = arith.constant 0 : i32
    %dma_wait3A_261 = tpu.memref_slice %arg8[%dma_wait3A_257, %dma_wait3A_260] : memref<4x128xi32, #tpu.memory_space<vmem>> -> memref<1x128xi32, #tpu.memory_space<vmem>>
    %dma_wait3A_262 = tpu.memref_squeeze %dma_wait3A_261 : memref<1x128xi32, #tpu.memory_space<vmem>> -> memref<128xi32, #tpu.memory_space<vmem>>
    %dma_wait3A_263 = arith.constant 0 : i32
    %dma_wait3A_264 = tpu.memref_slice %arg2[%dma_wait3A_256, %dma_wait3A_263] : memref<8x100096xf32, #tpu.memory_space<hbm>> -> memref<1x100096xf32, #tpu.memory_space<hbm>>
    %dma_wait3A_265 = tpu.memref_squeeze %dma_wait3A_264 : memref<1x100096xf32, #tpu.memory_space<hbm>> -> memref<100096xf32, #tpu.memory_space<hbm>>
    %dma_wait3A_266 = arith.constant 0 : i32
    %dma_wait3A_267 = tpu.memref_slice %dma_wait3A_265[%dma_wait3A_266] : memref<100096xf32, #tpu.memory_space<hbm>> -> memref<100096xf32, #tpu.memory_space<hbm>>
    tpu.wait_indirect_dma semaphore(%arg10 : memref<!tpu.dma_semaphore, #tpu.memory_space<semaphore_mem>>) src(%dma_wait3A_267 : memref<100096xf32, #tpu.memory_space<hbm>>) dst(%dma_wait3A_259 : memref<128xf32, #tpu.memory_space<vmem>>)
    %dma_wait3A_268 = arith.constant 1 : i32
    %dma_wait3A_269 = arith.constant 2 : i32
    %dma_wait3A_270 = arith.constant 256 : i32
    %dma_wait3A_271 = tpu.memref_slice %arg9[%dma_wait3A_270] : memref<512xf32, #tpu.memory_space<vmem>> -> memref<128xf32, #tpu.memory_space<vmem>>
    %dma_wait3A_272 = arith.constant 0 : i32
    %dma_wait3A_273 = tpu.memref_slice %arg8[%dma_wait3A_269, %dma_wait3A_272] : memref<4x128xi32, #tpu.memory_space<vmem>> -> memref<1x128xi32, #tpu.memory_space<vmem>>
    %dma_wait3A_274 = tpu.memref_squeeze %dma_wait3A_273 : memref<1x128xi32, #tpu.memory_space<vmem>> -> memref<128xi32, #tpu.memory_space<vmem>>
    %dma_wait3A_275 = arith.constant 0 : i32
    %dma_wait3A_276 = tpu.memref_slice %arg2[%dma_wait3A_268, %dma_wait3A_275] : memref<8x100096xf32, #tpu.memory_space<hbm>> -> memref<1x100096xf32, #tpu.memory_space<hbm>>
    %dma_wait3A_277 = tpu.memref_squeeze %dma_wait3A_276 : memref<1x100096xf32, #tpu.memory_space<hbm>> -> memref<100096xf32, #tpu.memory_space<hbm>>
    %dma_wait3A_278 = arith.constant 0 : i32
    %dma_wait3A_279 = tpu.memref_slice %dma_wait3A_277[%dma_wait3A_278] : memref<100096xf32, #tpu.memory_space<hbm>> -> memref<100096xf32, #tpu.memory_space<hbm>>
    tpu.wait_indirect_dma semaphore(%arg10 : memref<!tpu.dma_semaphore, #tpu.memory_space<semaphore_mem>>) src(%dma_wait3A_279 : memref<100096xf32, #tpu.memory_space<hbm>>) dst(%dma_wait3A_271 : memref<128xf32, #tpu.memory_space<vmem>>)
    %dma_wait3A_280 = arith.constant 1 : i32
    %dma_wait3A_281 = arith.constant 3 : i32
    %dma_wait3A_282 = arith.constant 384 : i32
    %dma_wait3A_283 = tpu.memref_slice %arg9[%dma_wait3A_282] : memref<512xf32, #tpu.memory_space<vmem>> -> memref<128xf32, #tpu.memory_space<vmem>>
    %dma_wait3A_284 = arith.constant 0 : i32
    %dma_wait3A_285 = tpu.memref_slice %arg8[%dma_wait3A_281, %dma_wait3A_284] : memref<4x128xi32, #tpu.memory_space<vmem>> -> memref<1x128xi32, #tpu.memory_space<vmem>>
    %dma_wait3A_286 = tpu.memref_squeeze %dma_wait3A_285 : memref<1x128xi32, #tpu.memory_space<vmem>> -> memref<128xi32, #tpu.memory_space<vmem>>
    %dma_wait3A_287 = arith.constant 0 : i32
    %dma_wait3A_288 = tpu.memref_slice %arg2[%dma_wait3A_280, %dma_wait3A_287] : memref<8x100096xf32, #tpu.memory_space<hbm>> -> memref<1x100096xf32, #tpu.memory_space<hbm>>
    %dma_wait3A_289 = tpu.memref_squeeze %dma_wait3A_288 : memref<1x100096xf32, #tpu.memory_space<hbm>> -> memref<100096xf32, #tpu.memory_space<hbm>>
    %dma_wait3A_290 = arith.constant 0 : i32
    %dma_wait3A_291 = tpu.memref_slice %dma_wait3A_289[%dma_wait3A_290] : memref<100096xf32, #tpu.memory_space<hbm>> -> memref<100096xf32, #tpu.memory_space<hbm>>
    tpu.wait_indirect_dma semaphore(%arg10 : memref<!tpu.dma_semaphore, #tpu.memory_space<semaphore_mem>>) src(%dma_wait3A_291 : memref<100096xf32, #tpu.memory_space<hbm>>) dst(%dma_wait3A_283 : memref<128xf32, #tpu.memory_space<vmem>>)
    %run_scoped3A_292 = arith.constant 2 : i32
    "tpu.region"() ({
      %run_scoped3A_390 = tpu.sem_alloc : memref<!tpu.dma_semaphore, #tpu.memory_space<semaphore_mem>>
      %dma_start3A_391 = tpu.memref_slice %arg7[%run_scoped3A_292, %mul3A_4] : memref<8x16384xf32, #tpu.memory_space<hbm>> -> memref<1x512xf32, #tpu.memory_space<hbm>>
      %dma_start3A_392 = tpu.memref_squeeze %dma_start3A_391 : memref<1x512xf32, #tpu.memory_space<hbm>> -> memref<512xf32, #tpu.memory_space<hbm>>
      %dma_start3A_393 = tpu.memref_slice %arg7[%run_scoped3A_292, %mul3A_4] : memref<8x16384xf32, #tpu.memory_space<hbm>> -> memref<1x512xf32, #tpu.memory_space<hbm>>
      %dma_start3A_394 = tpu.memref_squeeze %dma_start3A_393 : memref<1x512xf32, #tpu.memory_space<hbm>> -> memref<512xf32, #tpu.memory_space<hbm>>
      tpu.enqueue_dma source(%arg9 : memref<512xf32, #tpu.memory_space<vmem>>) target(%dma_start3A_394 : memref<512xf32, #tpu.memory_space<hbm>>) target_semaphore(%run_scoped3A_390 : memref<!tpu.dma_semaphore, #tpu.memory_space<semaphore_mem>>)
      %dma_wait3A_395 = tpu.memref_slice %arg7[%run_scoped3A_292, %mul3A_4] : memref<8x16384xf32, #tpu.memory_space<hbm>> -> memref<1x512xf32, #tpu.memory_space<hbm>>
      %dma_wait3A_396 = tpu.memref_squeeze %dma_wait3A_395 : memref<1x512xf32, #tpu.memory_space<hbm>> -> memref<512xf32, #tpu.memory_space<hbm>>
      %dma_wait3A_397 = tpu.memref_slice %arg7[%run_scoped3A_292, %mul3A_4] : memref<8x16384xf32, #tpu.memory_space<hbm>> -> memref<1x512xf32, #tpu.memory_space<hbm>>
      %dma_wait3A_398 = tpu.memref_squeeze %dma_wait3A_397 : memref<1x512xf32, #tpu.memory_space<hbm>> -> memref<512xf32, #tpu.memory_space<hbm>>
      tpu.wait_dma2 semaphore(%run_scoped3A_390 : memref<!tpu.dma_semaphore, #tpu.memory_space<semaphore_mem>>) src(%arg9 : memref<512xf32, #tpu.memory_space<vmem>>) dst(%dma_wait3A_398 : memref<512xf32, #tpu.memory_space<hbm>>)
      tpu.yield
    }) : () -> ()
    "tpu.region"() ({
      %run_scoped3A_390 = tpu.sem_alloc : memref<!tpu.dma_semaphore, #tpu.memory_space<semaphore_mem>>
      %dma_start3A_391 = arith.constant 0 : i32
      %dma_start3A_392 = tpu.memref_slice %arg6[%mul3A_2, %dma_start3A_391] : memref<128x128xi32, #tpu.memory_space<hbm>> -> memref<4x128xi32, #tpu.memory_space<hbm>>
      %dma_start3A_393 = arith.constant 0 : i32
      %dma_start3A_394 = tpu.memref_slice %arg6[%mul3A_2, %dma_start3A_393] : memref<128x128xi32, #tpu.memory_space<hbm>> -> memref<4x128xi32, #tpu.memory_space<hbm>>
      tpu.enqueue_dma source(%dma_start3A_394 : memref<4x128xi32, #tpu.memory_space<hbm>>) target(%arg8 : memref<4x128xi32, #tpu.memory_space<vmem>>) target_semaphore(%run_scoped3A_390 : memref<!tpu.dma_semaphore, #tpu.memory_space<semaphore_mem>>)
      %dma_wait3A_395 = arith.constant 0 : i32
      %dma_wait3A_396 = tpu.memref_slice %arg6[%mul3A_2, %dma_wait3A_395] : memref<128x128xi32, #tpu.memory_space<hbm>> -> memref<4x128xi32, #tpu.memory_space<hbm>>
      %dma_wait3A_397 = arith.constant 0 : i32
      %dma_wait3A_398 = tpu.memref_slice %arg6[%mul3A_2, %dma_wait3A_397] : memref<128x128xi32, #tpu.memory_space<hbm>> -> memref<4x128xi32, #tpu.memory_space<hbm>>
      tpu.wait_dma2 semaphore(%run_scoped3A_390 : memref<!tpu.dma_semaphore, #tpu.memory_space<semaphore_mem>>) src(%dma_wait3A_398 : memref<4x128xi32, #tpu.memory_space<hbm>>) dst(%arg8 : memref<4x128xi32, #tpu.memory_space<vmem>>)
      tpu.yield
    }) : () -> ()
    %dma_start3A_293 = arith.constant 1 : i32
    %dma_start3A_294 = arith.constant 0 : i32
    %dma_start3A_295 = arith.constant 0 : i32
    %dma_start3A_296 = tpu.memref_slice %arg9[%dma_start3A_295] : memref<512xf32, #tpu.memory_space<vmem>> -> memref<128xf32, #tpu.memory_space<vmem>>
    %dma_start3A_297 = arith.constant 0 : i32
    %dma_start3A_298 = tpu.memref_slice %arg8[%dma_start3A_294, %dma_start3A_297] : memref<4x128xi32, #tpu.memory_space<vmem>> -> memref<1x128xi32, #tpu.memory_space<vmem>>
    %dma_start3A_299 = tpu.memref_squeeze %dma_start3A_298 : memref<1x128xi32, #tpu.memory_space<vmem>> -> memref<128xi32, #tpu.memory_space<vmem>>
    %dma_start3A_300 = arith.constant 0 : i32
    %dma_start3A_301 = tpu.memref_slice %arg2[%dma_start3A_293, %dma_start3A_300] : memref<8x100096xf32, #tpu.memory_space<hbm>> -> memref<1x100096xf32, #tpu.memory_space<hbm>>
    %dma_start3A_302 = tpu.memref_squeeze %dma_start3A_301 : memref<1x100096xf32, #tpu.memory_space<hbm>> -> memref<100096xf32, #tpu.memory_space<hbm>>
    %dma_start3A_303 = arith.constant 0 : i32
    %dma_start3A_304 = tpu.memref_slice %dma_start3A_302[%dma_start3A_303] : memref<100096xf32, #tpu.memory_space<hbm>> -> memref<100096xf32, #tpu.memory_space<hbm>>
    tpu.enqueue_indirect_dma source(%dma_start3A_304 : memref<100096xf32, #tpu.memory_space<hbm>>) target(%dma_start3A_296 : memref<128xf32, #tpu.memory_space<vmem>>) offsets(%dma_start3A_299 : memref<128xi32, #tpu.memory_space<vmem>>) semaphore(%arg10 : memref<!tpu.dma_semaphore, #tpu.memory_space<semaphore_mem>>)
    %dma_start3A_305 = arith.constant 1 : i32
    %dma_start3A_306 = arith.constant 1 : i32
    %dma_start3A_307 = arith.constant 128 : i32
    %dma_start3A_308 = tpu.memref_slice %arg9[%dma_start3A_307] : memref<512xf32, #tpu.memory_space<vmem>> -> memref<128xf32, #tpu.memory_space<vmem>>
    %dma_start3A_309 = arith.constant 0 : i32
    %dma_start3A_310 = tpu.memref_slice %arg8[%dma_start3A_306, %dma_start3A_309] : memref<4x128xi32, #tpu.memory_space<vmem>> -> memref<1x128xi32, #tpu.memory_space<vmem>>
    %dma_start3A_311 = tpu.memref_squeeze %dma_start3A_310 : memref<1x128xi32, #tpu.memory_space<vmem>> -> memref<128xi32, #tpu.memory_space<vmem>>
    %dma_start3A_312 = arith.constant 0 : i32
    %dma_start3A_313 = tpu.memref_slice %arg2[%dma_start3A_305, %dma_start3A_312] : memref<8x100096xf32, #tpu.memory_space<hbm>> -> memref<1x100096xf32, #tpu.memory_space<hbm>>
    %dma_start3A_314 = tpu.memref_squeeze %dma_start3A_313 : memref<1x100096xf32, #tpu.memory_space<hbm>> -> memref<100096xf32, #tpu.memory_space<hbm>>
    %dma_start3A_315 = arith.constant 0 : i32
    %dma_start3A_316 = tpu.memref_slice %dma_start3A_314[%dma_start3A_315] : memref<100096xf32, #tpu.memory_space<hbm>> -> memref<100096xf32, #tpu.memory_space<hbm>>
    tpu.enqueue_indirect_dma source(%dma_start3A_316 : memref<100096xf32, #tpu.memory_space<hbm>>) target(%dma_start3A_308 : memref<128xf32, #tpu.memory_space<vmem>>) offsets(%dma_start3A_311 : memref<128xi32, #tpu.memory_space<vmem>>) semaphore(%arg10 : memref<!tpu.dma_semaphore, #tpu.memory_space<semaphore_mem>>)
    %dma_start3A_317 = arith.constant 1 : i32
    %dma_start3A_318 = arith.constant 2 : i32
    %dma_start3A_319 = arith.constant 256 : i32
    %dma_start3A_320 = tpu.memref_slice %arg9[%dma_start3A_319] : memref<512xf32, #tpu.memory_space<vmem>> -> memref<128xf32, #tpu.memory_space<vmem>>
    %dma_start3A_321 = arith.constant 0 : i32
    %dma_start3A_322 = tpu.memref_slice %arg8[%dma_start3A_318, %dma_start3A_321] : memref<4x128xi32, #tpu.memory_space<vmem>> -> memref<1x128xi32, #tpu.memory_space<vmem>>
    %dma_start3A_323 = tpu.memref_squeeze %dma_start3A_322 : memref<1x128xi32, #tpu.memory_space<vmem>> -> memref<128xi32, #tpu.memory_space<vmem>>
    %dma_start3A_324 = arith.constant 0 : i32
    %dma_start3A_325 = tpu.memref_slice %arg2[%dma_start3A_317, %dma_start3A_324] : memref<8x100096xf32, #tpu.memory_space<hbm>> -> memref<1x100096xf32, #tpu.memory_space<hbm>>
    %dma_start3A_326 = tpu.memref_squeeze %dma_start3A_325 : memref<1x100096xf32, #tpu.memory_space<hbm>> -> memref<100096xf32, #tpu.memory_space<hbm>>
    %dma_start3A_327 = arith.constant 0 : i32
    %dma_start3A_328 = tpu.memref_slice %dma_start3A_326[%dma_start3A_327] : memref<100096xf32, #tpu.memory_space<hbm>> -> memref<100096xf32, #tpu.memory_space<hbm>>
    tpu.enqueue_indirect_dma source(%dma_start3A_328 : memref<100096xf32, #tpu.memory_space<hbm>>) target(%dma_start3A_320 : memref<128xf32, #tpu.memory_space<vmem>>) offsets(%dma_start3A_323 : memref<128xi32, #tpu.memory_space<vmem>>) semaphore(%arg10 : memref<!tpu.dma_semaphore, #tpu.memory_space<semaphore_mem>>)
    %dma_start3A_329 = arith.constant 1 : i32
    %dma_start3A_330 = arith.constant 3 : i32
    %dma_start3A_331 = arith.constant 384 : i32
    %dma_start3A_332 = tpu.memref_slice %arg9[%dma_start3A_331] : memref<512xf32, #tpu.memory_space<vmem>> -> memref<128xf32, #tpu.memory_space<vmem>>
    %dma_start3A_333 = arith.constant 0 : i32
    %dma_start3A_334 = tpu.memref_slice %arg8[%dma_start3A_330, %dma_start3A_333] : memref<4x128xi32, #tpu.memory_space<vmem>> -> memref<1x128xi32, #tpu.memory_space<vmem>>
    %dma_start3A_335 = tpu.memref_squeeze %dma_start3A_334 : memref<1x128xi32, #tpu.memory_space<vmem>> -> memref<128xi32, #tpu.memory_space<vmem>>
    %dma_start3A_336 = arith.constant 0 : i32
    %dma_start3A_337 = tpu.memref_slice %arg2[%dma_start3A_329, %dma_start3A_336] : memref<8x100096xf32, #tpu.memory_space<hbm>> -> memref<1x100096xf32, #tpu.memory_space<hbm>>
    %dma_start3A_338 = tpu.memref_squeeze %dma_start3A_337 : memref<1x100096xf32, #tpu.memory_space<hbm>> -> memref<100096xf32, #tpu.memory_space<hbm>>
    %dma_start3A_339 = arith.constant 0 : i32
    %dma_start3A_340 = tpu.memref_slice %dma_start3A_338[%dma_start3A_339] : memref<100096xf32, #tpu.memory_space<hbm>> -> memref<100096xf32, #tpu.memory_space<hbm>>
    tpu.enqueue_indirect_dma source(%dma_start3A_340 : memref<100096xf32, #tpu.memory_space<hbm>>) target(%dma_start3A_332 : memref<128xf32, #tpu.memory_space<vmem>>) offsets(%dma_start3A_335 : memref<128xi32, #tpu.memory_space<vmem>>) semaphore(%arg10 : memref<!tpu.dma_semaphore, #tpu.memory_space<semaphore_mem>>)
    %dma_wait3A_341 = arith.constant 1 : i32
    %dma_wait3A_342 = arith.constant 0 : i32
    %dma_wait3A_343 = arith.constant 0 : i32
    %dma_wait3A_344 = tpu.memref_slice %arg9[%dma_wait3A_343] : memref<512xf32, #tpu.memory_space<vmem>> -> memref<128xf32, #tpu.memory_space<vmem>>
    %dma_wait3A_345 = arith.constant 0 : i32
    %dma_wait3A_346 = tpu.memref_slice %arg8[%dma_wait3A_342, %dma_wait3A_345] : memref<4x128xi32, #tpu.memory_space<vmem>> -> memref<1x128xi32, #tpu.memory_space<vmem>>
    %dma_wait3A_347 = tpu.memref_squeeze %dma_wait3A_346 : memref<1x128xi32, #tpu.memory_space<vmem>> -> memref<128xi32, #tpu.memory_space<vmem>>
    %dma_wait3A_348 = arith.constant 0 : i32
    %dma_wait3A_349 = tpu.memref_slice %arg2[%dma_wait3A_341, %dma_wait3A_348] : memref<8x100096xf32, #tpu.memory_space<hbm>> -> memref<1x100096xf32, #tpu.memory_space<hbm>>
    %dma_wait3A_350 = tpu.memref_squeeze %dma_wait3A_349 : memref<1x100096xf32, #tpu.memory_space<hbm>> -> memref<100096xf32, #tpu.memory_space<hbm>>
    %dma_wait3A_351 = arith.constant 0 : i32
    %dma_wait3A_352 = tpu.memref_slice %dma_wait3A_350[%dma_wait3A_351] : memref<100096xf32, #tpu.memory_space<hbm>> -> memref<100096xf32, #tpu.memory_space<hbm>>
    tpu.wait_indirect_dma semaphore(%arg10 : memref<!tpu.dma_semaphore, #tpu.memory_space<semaphore_mem>>) src(%dma_wait3A_352 : memref<100096xf32, #tpu.memory_space<hbm>>) dst(%dma_wait3A_344 : memref<128xf32, #tpu.memory_space<vmem>>)
    %dma_wait3A_353 = arith.constant 1 : i32
    %dma_wait3A_354 = arith.constant 1 : i32
    %dma_wait3A_355 = arith.constant 128 : i32
    %dma_wait3A_356 = tpu.memref_slice %arg9[%dma_wait3A_355] : memref<512xf32, #tpu.memory_space<vmem>> -> memref<128xf32, #tpu.memory_space<vmem>>
    %dma_wait3A_357 = arith.constant 0 : i32
    %dma_wait3A_358 = tpu.memref_slice %arg8[%dma_wait3A_354, %dma_wait3A_357] : memref<4x128xi32, #tpu.memory_space<vmem>> -> memref<1x128xi32, #tpu.memory_space<vmem>>
    %dma_wait3A_359 = tpu.memref_squeeze %dma_wait3A_358 : memref<1x128xi32, #tpu.memory_space<vmem>> -> memref<128xi32, #tpu.memory_space<vmem>>
    %dma_wait3A_360 = arith.constant 0 : i32
    %dma_wait3A_361 = tpu.memref_slice %arg2[%dma_wait3A_353, %dma_wait3A_360] : memref<8x100096xf32, #tpu.memory_space<hbm>> -> memref<1x100096xf32, #tpu.memory_space<hbm>>
    %dma_wait3A_362 = tpu.memref_squeeze %dma_wait3A_361 : memref<1x100096xf32, #tpu.memory_space<hbm>> -> memref<100096xf32, #tpu.memory_space<hbm>>
    %dma_wait3A_363 = arith.constant 0 : i32
    %dma_wait3A_364 = tpu.memref_slice %dma_wait3A_362[%dma_wait3A_363] : memref<100096xf32, #tpu.memory_space<hbm>> -> memref<100096xf32, #tpu.memory_space<hbm>>
    tpu.wait_indirect_dma semaphore(%arg10 : memref<!tpu.dma_semaphore, #tpu.memory_space<semaphore_mem>>) src(%dma_wait3A_364 : memref<100096xf32, #tpu.memory_space<hbm>>) dst(%dma_wait3A_356 : memref<128xf32, #tpu.memory_space<vmem>>)
    %dma_wait3A_365 = arith.constant 1 : i32
    %dma_wait3A_366 = arith.constant 2 : i32
    %dma_wait3A_367 = arith.constant 256 : i32
    %dma_wait3A_368 = tpu.memref_slice %arg9[%dma_wait3A_367] : memref<512xf32, #tpu.memory_space<vmem>> -> memref<128xf32, #tpu.memory_space<vmem>>
    %dma_wait3A_369 = arith.constant 0 : i32
    %dma_wait3A_370 = tpu.memref_slice %arg8[%dma_wait3A_366, %dma_wait3A_369] : memref<4x128xi32, #tpu.memory_space<vmem>> -> memref<1x128xi32, #tpu.memory_space<vmem>>
    %dma_wait3A_371 = tpu.memref_squeeze %dma_wait3A_370 : memref<1x128xi32, #tpu.memory_space<vmem>> -> memref<128xi32, #tpu.memory_space<vmem>>
    %dma_wait3A_372 = arith.constant 0 : i32
    %dma_wait3A_373 = tpu.memref_slice %arg2[%dma_wait3A_365, %dma_wait3A_372] : memref<8x100096xf32, #tpu.memory_space<hbm>> -> memref<1x100096xf32, #tpu.memory_space<hbm>>
    %dma_wait3A_374 = tpu.memref_squeeze %dma_wait3A_373 : memref<1x100096xf32, #tpu.memory_space<hbm>> -> memref<100096xf32, #tpu.memory_space<hbm>>
    %dma_wait3A_375 = arith.constant 0 : i32
    %dma_wait3A_376 = tpu.memref_slice %dma_wait3A_374[%dma_wait3A_375] : memref<100096xf32, #tpu.memory_space<hbm>> -> memref<100096xf32, #tpu.memory_space<hbm>>
    tpu.wait_indirect_dma semaphore(%arg10 : memref<!tpu.dma_semaphore, #tpu.memory_space<semaphore_mem>>) src(%dma_wait3A_376 : memref<100096xf32, #tpu.memory_space<hbm>>) dst(%dma_wait3A_368 : memref<128xf32, #tpu.memory_space<vmem>>)
    %dma_wait3A_377 = arith.constant 1 : i32
    %dma_wait3A_378 = arith.constant 3 : i32
    %dma_wait3A_379 = arith.constant 384 : i32
    %dma_wait3A_380 = tpu.memref_slice %arg9[%dma_wait3A_379] : memref<512xf32, #tpu.memory_space<vmem>> -> memref<128xf32, #tpu.memory_space<vmem>>
    %dma_wait3A_381 = arith.constant 0 : i32
    %dma_wait3A_382 = tpu.memref_slice %arg8[%dma_wait3A_378, %dma_wait3A_381] : memref<4x128xi32, #tpu.memory_space<vmem>> -> memref<1x128xi32, #tpu.memory_space<vmem>>
    %dma_wait3A_383 = tpu.memref_squeeze %dma_wait3A_382 : memref<1x128xi32, #tpu.memory_space<vmem>> -> memref<128xi32, #tpu.memory_space<vmem>>
    %dma_wait3A_384 = arith.constant 0 : i32
    %dma_wait3A_385 = tpu.memref_slice %arg2[%dma_wait3A_377, %dma_wait3A_384] : memref<8x100096xf32, #tpu.memory_space<hbm>> -> memref<1x100096xf32, #tpu.memory_space<hbm>>
    %dma_wait3A_386 = tpu.memref_squeeze %dma_wait3A_385 : memref<1x100096xf32, #tpu.memory_space<hbm>> -> memref<100096xf32, #tpu.memory_space<hbm>>
    %dma_wait3A_387 = arith.constant 0 : i32
    %dma_wait3A_388 = tpu.memref_slice %dma_wait3A_386[%dma_wait3A_387] : memref<100096xf32, #tpu.memory_space<hbm>> -> memref<100096xf32, #tpu.memory_space<hbm>>
    tpu.wait_indirect_dma semaphore(%arg10 : memref<!tpu.dma_semaphore, #tpu.memory_space<semaphore_mem>>) src(%dma_wait3A_388 : memref<100096xf32, #tpu.memory_space<hbm>>) dst(%dma_wait3A_380 : memref<128xf32, #tpu.memory_space<vmem>>)
    %run_scoped3A_389 = arith.constant 3 : i32
    "tpu.region"() ({
      %run_scoped3A_390 = tpu.sem_alloc : memref<!tpu.dma_semaphore, #tpu.memory_space<semaphore_mem>>
      %dma_start3A_391 = tpu.memref_slice %arg7[%run_scoped3A_389, %mul3A_4] : memref<8x16384xf32, #tpu.memory_space<hbm>> -> memref<1x512xf32, #tpu.memory_space<hbm>>
      %dma_start3A_392 = tpu.memref_squeeze %dma_start3A_391 : memref<1x512xf32, #tpu.memory_space<hbm>> -> memref<512xf32, #tpu.memory_space<hbm>>
      %dma_start3A_393 = tpu.memref_slice %arg7[%run_scoped3A_389, %mul3A_4] : memref<8x16384xf32, #tpu.memory_space<hbm>> -> memref<1x512xf32, #tpu.memory_space<hbm>>
      %dma_start3A_394 = tpu.memref_squeeze %dma_start3A_393 : memref<1x512xf32, #tpu.memory_space<hbm>> -> memref<512xf32, #tpu.memory_space<hbm>>
      tpu.enqueue_dma source(%arg9 : memref<512xf32, #tpu.memory_space<vmem>>) target(%dma_start3A_394 : memref<512xf32, #tpu.memory_space<hbm>>) target_semaphore(%run_scoped3A_390 : memref<!tpu.dma_semaphore, #tpu.memory_space<semaphore_mem>>)
      %dma_wait3A_395 = tpu.memref_slice %arg7[%run_scoped3A_389, %mul3A_4] : memref<8x16384xf32, #tpu.memory_space<hbm>> -> memref<1x512xf32, #tpu.memory_space<hbm>>
      %dma_wait3A_396 = tpu.memref_squeeze %dma_wait3A_395 : memref<1x512xf32, #tpu.memory_space<hbm>> -> memref<512xf32, #tpu.memory_space<hbm>>
      %dma_wait3A_397 = tpu.memref_slice %arg7[%run_scoped3A_389, %mul3A_4] : memref<8x16384xf32, #tpu.memory_space<hbm>> -> memref<1x512xf32, #tpu.memory_space<hbm>>
      %dma_wait3A_398 = tpu.memref_squeeze %dma_wait3A_397 : memref<1x512xf32, #tpu.memory_space<hbm>> -> memref<512xf32, #tpu.memory_space<hbm>>
      tpu.wait_dma2 semaphore(%run_scoped3A_390 : memref<!tpu.dma_semaphore, #tpu.memory_space<semaphore_mem>>) src(%arg9 : memref<512xf32, #tpu.memory_space<vmem>>) dst(%dma_wait3A_398 : memref<512xf32, #tpu.memory_space<hbm>>)
      tpu.yield
    }) : () -> ()
    return
  }
}

#map = affine_map<(d0, d1) -> (0, 0)>
module attributes {stable_mosaic.version = 14 : i64} {
  func.func @_sc_su_body(%arg0: i32, %arg1: i32, %arg2: memref<100000x64xf32, #tpu.memory_space<hbm>>, %arg3: memref<128x128xi32, #tpu.memory_space<hbm>>, %arg4: memref<16384x128xf32, #tpu.memory_space<hbm>>, %arg5: memref<4x128xi32, #tpu.memory_space<vmem>>, %arg6: memref<512x64xf32, #tpu.memory_space<vmem>>, %arg7: memref<!tpu.dma_semaphore, #tpu.memory_space<semaphore_mem>>) attributes {dimension_semantics = [#tpu.dimension_semantics<core_parallel>, #tpu.dimension_semantics<subcore_parallel>], iteration_bounds = array<i64: 2, 16>, scalar_prefetch = 0 : i64, scratch_operands = 3 : i64, tpu.core_type = #tpu.core_type<sc_vector_subcore>, window_params = [{transform_indices = #map}, {transform_indices = #map}, {transform_indices = #map}]} {
    %mul3A = arith.constant 2 : i32
    %mul3A_0 = arith.muli %arg1, %mul3A : i32
    %add3A = arith.addi %mul3A_0, %arg0 : i32
    %mul3A_1 = arith.constant 4 : i32
    %mul3A_2 = arith.muli %add3A, %mul3A_1 : i32
    %mul3A_3 = arith.constant 512 : i32
    %mul3A_4 = arith.muli %add3A, %mul3A_3 : i32
    "tpu.region"() ({
      %run_scoped3A = tpu.sem_alloc : memref<!tpu.dma_semaphore, #tpu.memory_space<semaphore_mem>>
      %dma_start3A_83 = arith.constant 0 : i32
      %dma_start3A_84 = tpu.memref_slice %arg3[%mul3A_2, %dma_start3A_83] : memref<128x128xi32, #tpu.memory_space<hbm>> -> memref<4x128xi32, #tpu.memory_space<hbm>>
      %dma_start3A_85 = arith.constant 0 : i32
      %dma_start3A_86 = tpu.memref_slice %arg3[%mul3A_2, %dma_start3A_85] : memref<128x128xi32, #tpu.memory_space<hbm>> -> memref<4x128xi32, #tpu.memory_space<hbm>>
      tpu.enqueue_dma source(%dma_start3A_86 : memref<4x128xi32, #tpu.memory_space<hbm>>) target(%arg5 : memref<4x128xi32, #tpu.memory_space<vmem>>) target_semaphore(%run_scoped3A : memref<!tpu.dma_semaphore, #tpu.memory_space<semaphore_mem>>)
      %dma_wait3A_87 = arith.constant 0 : i32
      %dma_wait3A_88 = tpu.memref_slice %arg3[%mul3A_2, %dma_wait3A_87] : memref<128x128xi32, #tpu.memory_space<hbm>> -> memref<4x128xi32, #tpu.memory_space<hbm>>
      %dma_wait3A_89 = arith.constant 0 : i32
      %dma_wait3A_90 = tpu.memref_slice %arg3[%mul3A_2, %dma_wait3A_89] : memref<128x128xi32, #tpu.memory_space<hbm>> -> memref<4x128xi32, #tpu.memory_space<hbm>>
      tpu.wait_dma2 semaphore(%run_scoped3A : memref<!tpu.dma_semaphore, #tpu.memory_space<semaphore_mem>>) src(%dma_wait3A_90 : memref<4x128xi32, #tpu.memory_space<hbm>>) dst(%arg5 : memref<4x128xi32, #tpu.memory_space<vmem>>)
      tpu.yield
    }) : () -> ()
    %dma_start3A = arith.constant 0 : i32
    %dma_start3A_5 = arith.constant 0 : i32
    %dma_start3A_6 = arith.constant 0 : i32
    %dma_start3A_7 = tpu.memref_slice %arg6[%dma_start3A_5, %dma_start3A_6] : memref<512x64xf32, #tpu.memory_space<vmem>> -> memref<128x64xf32, #tpu.memory_space<vmem>>
    %dma_start3A_8 = arith.constant 0 : i32
    %dma_start3A_9 = tpu.memref_slice %arg5[%dma_start3A, %dma_start3A_8] : memref<4x128xi32, #tpu.memory_space<vmem>> -> memref<1x128xi32, #tpu.memory_space<vmem>>
    %dma_start3A_10 = tpu.memref_squeeze %dma_start3A_9 : memref<1x128xi32, #tpu.memory_space<vmem>> -> memref<128xi32, #tpu.memory_space<vmem>>
    %dma_start3A_11 = arith.constant 0 : i32
    %dma_start3A_12 = arith.constant 0 : i32
    %dma_start3A_13 = tpu.memref_slice %arg2[%dma_start3A_11, %dma_start3A_12] : memref<100000x64xf32, #tpu.memory_space<hbm>> -> memref<100000x64xf32, #tpu.memory_space<hbm>>
    tpu.enqueue_indirect_dma source(%dma_start3A_13 : memref<100000x64xf32, #tpu.memory_space<hbm>>) target(%dma_start3A_7 : memref<128x64xf32, #tpu.memory_space<vmem>>) offsets(%dma_start3A_10 : memref<128xi32, #tpu.memory_space<vmem>>) semaphore(%arg7 : memref<!tpu.dma_semaphore, #tpu.memory_space<semaphore_mem>>)
    %dma_start3A_14 = arith.constant 1 : i32
    %dma_start3A_15 = arith.constant 128 : i32
    %dma_start3A_16 = arith.constant 0 : i32
    %dma_start3A_17 = tpu.memref_slice %arg6[%dma_start3A_15, %dma_start3A_16] : memref<512x64xf32, #tpu.memory_space<vmem>> -> memref<128x64xf32, #tpu.memory_space<vmem>>
    %dma_start3A_18 = arith.constant 0 : i32
    %dma_start3A_19 = tpu.memref_slice %arg5[%dma_start3A_14, %dma_start3A_18] : memref<4x128xi32, #tpu.memory_space<vmem>> -> memref<1x128xi32, #tpu.memory_space<vmem>>
    %dma_start3A_20 = tpu.memref_squeeze %dma_start3A_19 : memref<1x128xi32, #tpu.memory_space<vmem>> -> memref<128xi32, #tpu.memory_space<vmem>>
    %dma_start3A_21 = arith.constant 0 : i32
    %dma_start3A_22 = arith.constant 0 : i32
    %dma_start3A_23 = tpu.memref_slice %arg2[%dma_start3A_21, %dma_start3A_22] : memref<100000x64xf32, #tpu.memory_space<hbm>> -> memref<100000x64xf32, #tpu.memory_space<hbm>>
    tpu.enqueue_indirect_dma source(%dma_start3A_23 : memref<100000x64xf32, #tpu.memory_space<hbm>>) target(%dma_start3A_17 : memref<128x64xf32, #tpu.memory_space<vmem>>) offsets(%dma_start3A_20 : memref<128xi32, #tpu.memory_space<vmem>>) semaphore(%arg7 : memref<!tpu.dma_semaphore, #tpu.memory_space<semaphore_mem>>)
    %dma_start3A_24 = arith.constant 2 : i32
    %dma_start3A_25 = arith.constant 256 : i32
    %dma_start3A_26 = arith.constant 0 : i32
    %dma_start3A_27 = tpu.memref_slice %arg6[%dma_start3A_25, %dma_start3A_26] : memref<512x64xf32, #tpu.memory_space<vmem>> -> memref<128x64xf32, #tpu.memory_space<vmem>>
    %dma_start3A_28 = arith.constant 0 : i32
    %dma_start3A_29 = tpu.memref_slice %arg5[%dma_start3A_24, %dma_start3A_28] : memref<4x128xi32, #tpu.memory_space<vmem>> -> memref<1x128xi32, #tpu.memory_space<vmem>>
    %dma_start3A_30 = tpu.memref_squeeze %dma_start3A_29 : memref<1x128xi32, #tpu.memory_space<vmem>> -> memref<128xi32, #tpu.memory_space<vmem>>
    %dma_start3A_31 = arith.constant 0 : i32
    %dma_start3A_32 = arith.constant 0 : i32
    %dma_start3A_33 = tpu.memref_slice %arg2[%dma_start3A_31, %dma_start3A_32] : memref<100000x64xf32, #tpu.memory_space<hbm>> -> memref<100000x64xf32, #tpu.memory_space<hbm>>
    tpu.enqueue_indirect_dma source(%dma_start3A_33 : memref<100000x64xf32, #tpu.memory_space<hbm>>) target(%dma_start3A_27 : memref<128x64xf32, #tpu.memory_space<vmem>>) offsets(%dma_start3A_30 : memref<128xi32, #tpu.memory_space<vmem>>) semaphore(%arg7 : memref<!tpu.dma_semaphore, #tpu.memory_space<semaphore_mem>>)
    %dma_start3A_34 = arith.constant 3 : i32
    %dma_start3A_35 = arith.constant 384 : i32
    %dma_start3A_36 = arith.constant 0 : i32
    %dma_start3A_37 = tpu.memref_slice %arg6[%dma_start3A_35, %dma_start3A_36] : memref<512x64xf32, #tpu.memory_space<vmem>> -> memref<128x64xf32, #tpu.memory_space<vmem>>
    %dma_start3A_38 = arith.constant 0 : i32
    %dma_start3A_39 = tpu.memref_slice %arg5[%dma_start3A_34, %dma_start3A_38] : memref<4x128xi32, #tpu.memory_space<vmem>> -> memref<1x128xi32, #tpu.memory_space<vmem>>
    %dma_start3A_40 = tpu.memref_squeeze %dma_start3A_39 : memref<1x128xi32, #tpu.memory_space<vmem>> -> memref<128xi32, #tpu.memory_space<vmem>>
    %dma_start3A_41 = arith.constant 0 : i32
    %dma_start3A_42 = arith.constant 0 : i32
    %dma_start3A_43 = tpu.memref_slice %arg2[%dma_start3A_41, %dma_start3A_42] : memref<100000x64xf32, #tpu.memory_space<hbm>> -> memref<100000x64xf32, #tpu.memory_space<hbm>>
    tpu.enqueue_indirect_dma source(%dma_start3A_43 : memref<100000x64xf32, #tpu.memory_space<hbm>>) target(%dma_start3A_37 : memref<128x64xf32, #tpu.memory_space<vmem>>) offsets(%dma_start3A_40 : memref<128xi32, #tpu.memory_space<vmem>>) semaphore(%arg7 : memref<!tpu.dma_semaphore, #tpu.memory_space<semaphore_mem>>)
    %dma_wait3A = arith.constant 0 : i32
    %dma_wait3A_44 = arith.constant 0 : i32
    %dma_wait3A_45 = arith.constant 0 : i32
    %dma_wait3A_46 = tpu.memref_slice %arg6[%dma_wait3A_44, %dma_wait3A_45] : memref<512x64xf32, #tpu.memory_space<vmem>> -> memref<128x64xf32, #tpu.memory_space<vmem>>
    %dma_wait3A_47 = arith.constant 0 : i32
    %dma_wait3A_48 = tpu.memref_slice %arg5[%dma_wait3A, %dma_wait3A_47] : memref<4x128xi32, #tpu.memory_space<vmem>> -> memref<1x128xi32, #tpu.memory_space<vmem>>
    %dma_wait3A_49 = tpu.memref_squeeze %dma_wait3A_48 : memref<1x128xi32, #tpu.memory_space<vmem>> -> memref<128xi32, #tpu.memory_space<vmem>>
    %dma_wait3A_50 = arith.constant 0 : i32
    %dma_wait3A_51 = arith.constant 0 : i32
    %dma_wait3A_52 = tpu.memref_slice %arg2[%dma_wait3A_50, %dma_wait3A_51] : memref<100000x64xf32, #tpu.memory_space<hbm>> -> memref<100000x64xf32, #tpu.memory_space<hbm>>
    tpu.wait_indirect_dma semaphore(%arg7 : memref<!tpu.dma_semaphore, #tpu.memory_space<semaphore_mem>>) src(%dma_wait3A_52 : memref<100000x64xf32, #tpu.memory_space<hbm>>) dst(%dma_wait3A_46 : memref<128x64xf32, #tpu.memory_space<vmem>>)
    %dma_wait3A_53 = arith.constant 1 : i32
    %dma_wait3A_54 = arith.constant 128 : i32
    %dma_wait3A_55 = arith.constant 0 : i32
    %dma_wait3A_56 = tpu.memref_slice %arg6[%dma_wait3A_54, %dma_wait3A_55] : memref<512x64xf32, #tpu.memory_space<vmem>> -> memref<128x64xf32, #tpu.memory_space<vmem>>
    %dma_wait3A_57 = arith.constant 0 : i32
    %dma_wait3A_58 = tpu.memref_slice %arg5[%dma_wait3A_53, %dma_wait3A_57] : memref<4x128xi32, #tpu.memory_space<vmem>> -> memref<1x128xi32, #tpu.memory_space<vmem>>
    %dma_wait3A_59 = tpu.memref_squeeze %dma_wait3A_58 : memref<1x128xi32, #tpu.memory_space<vmem>> -> memref<128xi32, #tpu.memory_space<vmem>>
    %dma_wait3A_60 = arith.constant 0 : i32
    %dma_wait3A_61 = arith.constant 0 : i32
    %dma_wait3A_62 = tpu.memref_slice %arg2[%dma_wait3A_60, %dma_wait3A_61] : memref<100000x64xf32, #tpu.memory_space<hbm>> -> memref<100000x64xf32, #tpu.memory_space<hbm>>
    tpu.wait_indirect_dma semaphore(%arg7 : memref<!tpu.dma_semaphore, #tpu.memory_space<semaphore_mem>>) src(%dma_wait3A_62 : memref<100000x64xf32, #tpu.memory_space<hbm>>) dst(%dma_wait3A_56 : memref<128x64xf32, #tpu.memory_space<vmem>>)
    %dma_wait3A_63 = arith.constant 2 : i32
    %dma_wait3A_64 = arith.constant 256 : i32
    %dma_wait3A_65 = arith.constant 0 : i32
    %dma_wait3A_66 = tpu.memref_slice %arg6[%dma_wait3A_64, %dma_wait3A_65] : memref<512x64xf32, #tpu.memory_space<vmem>> -> memref<128x64xf32, #tpu.memory_space<vmem>>
    %dma_wait3A_67 = arith.constant 0 : i32
    %dma_wait3A_68 = tpu.memref_slice %arg5[%dma_wait3A_63, %dma_wait3A_67] : memref<4x128xi32, #tpu.memory_space<vmem>> -> memref<1x128xi32, #tpu.memory_space<vmem>>
    %dma_wait3A_69 = tpu.memref_squeeze %dma_wait3A_68 : memref<1x128xi32, #tpu.memory_space<vmem>> -> memref<128xi32, #tpu.memory_space<vmem>>
    %dma_wait3A_70 = arith.constant 0 : i32
    %dma_wait3A_71 = arith.constant 0 : i32
    %dma_wait3A_72 = tpu.memref_slice %arg2[%dma_wait3A_70, %dma_wait3A_71] : memref<100000x64xf32, #tpu.memory_space<hbm>> -> memref<100000x64xf32, #tpu.memory_space<hbm>>
    tpu.wait_indirect_dma semaphore(%arg7 : memref<!tpu.dma_semaphore, #tpu.memory_space<semaphore_mem>>) src(%dma_wait3A_72 : memref<100000x64xf32, #tpu.memory_space<hbm>>) dst(%dma_wait3A_66 : memref<128x64xf32, #tpu.memory_space<vmem>>)
    %dma_wait3A_73 = arith.constant 3 : i32
    %dma_wait3A_74 = arith.constant 384 : i32
    %dma_wait3A_75 = arith.constant 0 : i32
    %dma_wait3A_76 = tpu.memref_slice %arg6[%dma_wait3A_74, %dma_wait3A_75] : memref<512x64xf32, #tpu.memory_space<vmem>> -> memref<128x64xf32, #tpu.memory_space<vmem>>
    %dma_wait3A_77 = arith.constant 0 : i32
    %dma_wait3A_78 = tpu.memref_slice %arg5[%dma_wait3A_73, %dma_wait3A_77] : memref<4x128xi32, #tpu.memory_space<vmem>> -> memref<1x128xi32, #tpu.memory_space<vmem>>
    %dma_wait3A_79 = tpu.memref_squeeze %dma_wait3A_78 : memref<1x128xi32, #tpu.memory_space<vmem>> -> memref<128xi32, #tpu.memory_space<vmem>>
    %dma_wait3A_80 = arith.constant 0 : i32
    %dma_wait3A_81 = arith.constant 0 : i32
    %dma_wait3A_82 = tpu.memref_slice %arg2[%dma_wait3A_80, %dma_wait3A_81] : memref<100000x64xf32, #tpu.memory_space<hbm>> -> memref<100000x64xf32, #tpu.memory_space<hbm>>
    tpu.wait_indirect_dma semaphore(%arg7 : memref<!tpu.dma_semaphore, #tpu.memory_space<semaphore_mem>>) src(%dma_wait3A_82 : memref<100000x64xf32, #tpu.memory_space<hbm>>) dst(%dma_wait3A_76 : memref<128x64xf32, #tpu.memory_space<vmem>>)
    "tpu.region"() ({
      %run_scoped3A = tpu.sem_alloc : memref<!tpu.dma_semaphore, #tpu.memory_space<semaphore_mem>>
      %dma_start3A_83 = arith.constant 0 : i32
      %dma_start3A_84 = tpu.memref_slice %arg4[%mul3A_4, %dma_start3A_83] : memref<16384x128xf32, #tpu.memory_space<hbm>> -> memref<512x64xf32, #tpu.memory_space<hbm>>
      %dma_start3A_85 = arith.constant 0 : i32
      %dma_start3A_86 = tpu.memref_slice %arg4[%mul3A_4, %dma_start3A_85] : memref<16384x128xf32, #tpu.memory_space<hbm>> -> memref<512x64xf32, #tpu.memory_space<hbm>>
      tpu.enqueue_dma source(%arg6 : memref<512x64xf32, #tpu.memory_space<vmem>>) target(%dma_start3A_86 : memref<512x64xf32, #tpu.memory_space<hbm>>) target_semaphore(%run_scoped3A : memref<!tpu.dma_semaphore, #tpu.memory_space<semaphore_mem>>)
      %dma_wait3A_87 = arith.constant 0 : i32
      %dma_wait3A_88 = tpu.memref_slice %arg4[%mul3A_4, %dma_wait3A_87] : memref<16384x128xf32, #tpu.memory_space<hbm>> -> memref<512x64xf32, #tpu.memory_space<hbm>>
      %dma_wait3A_89 = arith.constant 0 : i32
      %dma_wait3A_90 = tpu.memref_slice %arg4[%mul3A_4, %dma_wait3A_89] : memref<16384x128xf32, #tpu.memory_space<hbm>> -> memref<512x64xf32, #tpu.memory_space<hbm>>
      tpu.wait_dma2 semaphore(%run_scoped3A : memref<!tpu.dma_semaphore, #tpu.memory_space<semaphore_mem>>) src(%arg6 : memref<512x64xf32, #tpu.memory_space<vmem>>) dst(%dma_wait3A_90 : memref<512x64xf32, #tpu.memory_space<hbm>>)
      tpu.yield
    }) : () -> ()
    return
  }
}

module attributes {stable_mosaic.version = 14 : i64} {
  func.func @_tc_dots_body(%arg0: i32, %arg1: memref<8x100000xf32, #tpu.memory_space<vmem>>, %arg2: memref<8x100000xf32, #tpu.memory_space<vmem>>, %arg3: memref<64x1xf32, #tpu.memory_space<vmem>>, %arg4: memref<64x1xf32, #tpu.memory_space<vmem>>, %arg5: memref<8x100096xf32, #tpu.memory_space<vmem>>, %arg6: memref<8x100000xf32, #tpu.memory_space<vmem>>, %arg7: memref<8x100000xf32, #tpu.memory_space<vmem>>) attributes {dimension_semantics = [#tpu.dimension_semantics<arbitrary>], iteration_bounds = array<i64: 8>, scalar_prefetch = 0 : i64, scratch_operands = 2 : i64, tpu.core_type = #tpu.core_type<tc>, window_params = [{transform_indices = @transform_0, window_bounds = array<i64: 8, 100000>}, {transform_indices = @transform_1, window_bounds = array<i64: 8, 100000>}, {pipeline_mode = #tpu.pipeline_mode<synchronous>, transform_indices = @transform_2, window_bounds = array<i64: 64, 1>}, {pipeline_mode = #tpu.pipeline_mode<synchronous>, transform_indices = @transform_3, window_bounds = array<i64: 64, 1>}, {pipeline_mode = #tpu.pipeline_mode<synchronous>, transform_indices = @transform_4, window_bounds = array<i64: 8, 100096>}]} {
    %eq3A = arith.constant 0 : i32
    %eq3A_0 = arith.cmpi eq, %arg0, %eq3A : i32
    %convert_element_type3A = arith.extui %eq3A_0 : i1 to i32
    %cond3A = arith.constant 0 : i32
    %cond3A_1 = arith.cmpi ne, %convert_element_type3A, %cond3A : i32
    scf.if %cond3A_1 {
      %broadcast_in_dim3A = arith.constant 0.000000e+00 : f32
      %broadcast_in_dim3A_37 = vector.broadcast %broadcast_in_dim3A : f32 to vector<8x100000xf32>
      %swap3A_38 = arith.constant 0 : index
      %swap3A_39 = arith.constant 0 : index
      %swap3A_40 = vector.load %arg6[%swap3A_38, %swap3A_39] : memref<8x100000xf32, #tpu.memory_space<vmem>>, vector<8x100000xf32>
      tpu.vector_store %arg6[%swap3A_38, %swap3A_39], %broadcast_in_dim3A_37 {strides = array<i32>} : memref<8x100000xf32, #tpu.memory_space<vmem>>, vector<8x100000xf32>,
      %broadcast_in_dim3A_41 = arith.constant 0.000000e+00 : f32
      %broadcast_in_dim3A_42 = vector.broadcast %broadcast_in_dim3A_41 : f32 to vector<8x100000xf32>
      %swap3A_43 = arith.constant 0 : index
      %swap3A_44 = arith.constant 0 : index
      %swap3A_45 = vector.load %arg7[%swap3A_43, %swap3A_44] : memref<8x100000xf32, #tpu.memory_space<vmem>>, vector<8x100000xf32>
      tpu.vector_store %arg7[%swap3A_43, %swap3A_44], %broadcast_in_dim3A_42 {strides = array<i32>} : memref<8x100000xf32, #tpu.memory_space<vmem>>, vector<8x100000xf32>,
    } else {
    }
    %get3A = arith.constant 0 : index
    %get3A_2 = arith.constant 0 : index
    %get3A_3 = vector.load %arg6[%get3A, %get3A_2] : memref<8x100000xf32, #tpu.memory_space<vmem>>, vector<8x100000xf32>
    %get3A_4 = arith.constant 0 : index
    %get3A_5 = arith.constant 0 : index
    %get3A_6 = vector.load %arg1[%get3A_4, %get3A_5] : memref<8x100000xf32, #tpu.memory_space<vmem>>, vector<8x100000xf32>
    %mul3A = arith.constant 8 : i32
    %mul3A_7 = arith.muli %arg0, %mul3A : i32
    %get3A_8 = arith.index_cast %mul3A_7 : i32 to index
    %get3A_9 = arith.constant 0 : index
    %get3A_10 = vector.load %arg3[%get3A_8, %get3A_9] : memref<64x1xf32, #tpu.memory_space<vmem>>, vector<8x1xf32>
    %mul3A_11 = vector.broadcast %get3A_10 : vector<8x1xf32> to vector<8x100000xf32>
    %mul3A_12 = arith.mulf %get3A_6, %mul3A_11 : vector<8x100000xf32>
    %add3A = arith.addf %get3A_3, %mul3A_12 : vector<8x100000xf32>
    %swap3A = arith.constant 0 : index
    %swap3A_13 = arith.constant 0 : index
    %swap3A_14 = vector.load %arg6[%swap3A, %swap3A_13] : memref<8x100000xf32, #tpu.memory_space<vmem>>, vector<8x100000xf32>
    tpu.vector_store %arg6[%swap3A, %swap3A_13], %add3A {strides = array<i32>} : memref<8x100000xf32, #tpu.memory_space<vmem>>, vector<8x100000xf32>,
    %get3A_15 = arith.constant 0 : index
    %get3A_16 = arith.constant 0 : index
    %get3A_17 = vector.load %arg7[%get3A_15, %get3A_16] : memref<8x100000xf32, #tpu.memory_space<vmem>>, vector<8x100000xf32>
    %get3A_18 = arith.constant 0 : index
    %get3A_19 = arith.constant 0 : index
    %get3A_20 = vector.load %arg2[%get3A_18, %get3A_19] : memref<8x100000xf32, #tpu.memory_space<vmem>>, vector<8x100000xf32>
    %mul3A_21 = arith.constant 8 : i32
    %mul3A_22 = arith.muli %arg0, %mul3A_21 : i32
    %get3A_23 = arith.index_cast %mul3A_22 : i32 to index
    %get3A_24 = arith.constant 0 : index
    %get3A_25 = vector.load %arg4[%get3A_23, %get3A_24] : memref<64x1xf32, #tpu.memory_space<vmem>>, vector<8x1xf32>
    %mul3A_26 = vector.broadcast %get3A_25 : vector<8x1xf32> to vector<8x100000xf32>
    %mul3A_27 = arith.mulf %get3A_20, %mul3A_26 : vector<8x100000xf32>
    %add3A_28 = arith.addf %get3A_17, %mul3A_27 : vector<8x100000xf32>
    %swap3A_29 = arith.constant 0 : index
    %swap3A_30 = arith.constant 0 : index
    %swap3A_31 = vector.load %arg7[%swap3A_29, %swap3A_30] : memref<8x100000xf32, #tpu.memory_space<vmem>>, vector<8x100000xf32>
    tpu.vector_store %arg7[%swap3A_29, %swap3A_30], %add3A_28 {strides = array<i32>} : memref<8x100000xf32, #tpu.memory_space<vmem>>, vector<8x100000xf32>,
    %eq3A_32 = arith.constant 7 : i32
    %eq3A_33 = arith.cmpi eq, %arg0, %eq3A_32 : i32
    %convert_element_type3A_34 = arith.extui %eq3A_33 : i1 to i32
    %cond3A_35 = arith.constant 0 : i32
    %cond3A_36 = arith.cmpi ne, %convert_element_type3A_34, %cond3A_35 : i32
    scf.if %cond3A_36 {
      %get3A_37 = arith.constant 0 : index
      %get3A_38 = arith.constant 0 : index
      %get3A_39 = vector.load %arg6[%get3A_37, %get3A_38] : memref<8x100000xf32, #tpu.memory_space<vmem>>, vector<8x100000xf32>
      %reduce_sum3A = arith.constant dense<0.000000e+00> : vector<100000xf32>
      %reduce_sum3A_40 = vector.multi_reduction <add>, %get3A_39, %reduce_sum3A [0] : vector<8x100000xf32> to vector<100000xf32>
      %broadcast_in_dim3A = vector.shape_cast %reduce_sum3A_40 : vector<100000xf32> to vector<1x100000xf32>
      %swap3A_41 = arith.constant 0 : index
      %swap3A_42 = arith.constant 0 : index
      %swap3A_43 = vector.load %arg5[%swap3A_41, %swap3A_42] : memref<8x100096xf32, #tpu.memory_space<vmem>>, vector<1x100000xf32>
      tpu.vector_store %arg5[%swap3A_41, %swap3A_42], %broadcast_in_dim3A {strides = array<i32>} : memref<8x100096xf32, #tpu.memory_space<vmem>>, vector<1x100000xf32>,
      %get3A_44 = arith.constant 0 : index
      %get3A_45 = arith.constant 0 : index
      %get3A_46 = vector.load %arg7[%get3A_44, %get3A_45] : memref<8x100000xf32, #tpu.memory_space<vmem>>, vector<8x100000xf32>
      %reduce_sum3A_47 = arith.constant dense<0.000000e+00> : vector<100000xf32>
      %reduce_sum3A_48 = vector.multi_reduction <add>, %get3A_46, %reduce_sum3A_47 [0] : vector<8x100000xf32> to vector<100000xf32>
      %broadcast_in_dim3A_49 = vector.shape_cast %reduce_sum3A_48 : vector<100000xf32> to vector<1x100000xf32>
      %swap3A_50 = arith.constant 1 : index
      %swap3A_51 = arith.constant 0 : index
      %swap3A_52 = vector.load %arg5[%swap3A_50, %swap3A_51] : memref<8x100096xf32, #tpu.memory_space<vmem>>, vector<1x100000xf32>
      tpu.vector_store %arg5[%swap3A_50, %swap3A_51], %broadcast_in_dim3A_49 {strides = array<i32>} : memref<8x100096xf32, #tpu.memory_space<vmem>>, vector<1x100000xf32>,
    } else {
    }
    return
  }
  func.func @transform_0(%arg0: i32) -> (i32, i32) {
    %c0_i32 = arith.constant 0 : i32
    %c0_i32_0 = arith.constant 0 : i32
    return %arg0, %c0_i32 : i32, i32
  }
  func.func @transform_1(%arg0: i32) -> (i32, i32) {
    %c0_i32 = arith.constant 0 : i32
    %c0_i32_0 = arith.constant 0 : i32
    return %arg0, %c0_i32 : i32, i32
  }
  func.func @transform_2(%arg0: i32) -> (i32, i32) {
    %c0_i32 = arith.constant 0 : i32
    %c0_i32_0 = arith.constant 0 : i32
    %c0_i32_1 = arith.constant 0 : i32
    return %c0_i32, %c0_i32_0 : i32, i32
  }
  func.func @transform_3(%arg0: i32) -> (i32, i32) {
    %c0_i32 = arith.constant 0 : i32
    %c0_i32_0 = arith.constant 0 : i32
    %c0_i32_1 = arith.constant 0 : i32
    return %c0_i32, %c0_i32_0 : i32, i32
  }
  func.func @transform_4(%arg0: i32) -> (i32, i32) {
    %c0_i32 = arith.constant 0 : i32
    %c0_i32_0 = arith.constant 0 : i32
    %c0_i32_1 = arith.constant 0 : i32
    return %c0_i32, %c0_i32_0 : i32, i32
  }
}

module attributes {stable_mosaic.version = 14 : i64} {
  func.func @_tc_body(%arg0: i32, %arg1: memref<2048x128xf32, #tpu.memory_space<vmem>>, %arg2: memref<2048x128xf32, #tpu.memory_space<vmem>>, %arg3: memref<8x2048xf32, #tpu.memory_space<vmem>>, %arg4: memref<32x64xf32, #tpu.memory_space<vmem>>, %arg5: memref<32x1xf32, #tpu.memory_space<vmem>>, %arg6: memref<32x32xf32, #tpu.memory_space<vmem>>, %arg7: memref<32x1xf32, #tpu.memory_space<vmem>>, %arg8: memref<32x32xf32, #tpu.memory_space<vmem>>, %arg9: memref<32x1xf32, #tpu.memory_space<vmem>>, %arg10: memref<4x128xf32, #tpu.memory_space<vmem>>, %arg11: memref<1x2xf32, #tpu.memory_space<vmem>>, %arg12: memref<8x2048xf32, #tpu.memory_space<vmem>>) attributes {dimension_semantics = [#tpu.dimension_semantics<arbitrary>], iteration_bounds = array<i64: 8>, scalar_prefetch = 0 : i64, scratch_operands = 0 : i64, tpu.core_type = #tpu.core_type<tc>, window_params = [{transform_indices = @transform_0, window_bounds = array<i64: 2048, 128>}, {transform_indices = @transform_1, window_bounds = array<i64: 2048, 128>}, {transform_indices = @transform_2, window_bounds = array<i64: 8, 2048>}, {pipeline_mode = #tpu.pipeline_mode<synchronous>, transform_indices = @transform_3, window_bounds = array<i64: 32, 64>}, {pipeline_mode = #tpu.pipeline_mode<synchronous>, transform_indices = @transform_4, window_bounds = array<i64: 32, 1>}, {pipeline_mode = #tpu.pipeline_mode<synchronous>, transform_indices = @transform_5, window_bounds = array<i64: 32, 32>}, {pipeline_mode = #tpu.pipeline_mode<synchronous>, transform_indices = @transform_6, window_bounds = array<i64: 32, 1>}, {pipeline_mode = #tpu.pipeline_mode<synchronous>, transform_indices = @transform_7, window_bounds = array<i64: 32, 32>}, {pipeline_mode = #tpu.pipeline_mode<synchronous>, transform_indices = @transform_8, window_bounds = array<i64: 32, 1>}, {pipeline_mode = #tpu.pipeline_mode<synchronous>, transform_indices = @transform_9, window_bounds = array<i64: 4, 128>}, {pipeline_mode = #tpu.pipeline_mode<synchronous>, transform_indices = @transform_10, window_bounds = array<i64: 1, 2>}, {transform_indices = @transform_11, window_bounds = array<i64: 8, 2048>}]} {
    %get3A = arith.constant 0 : index
    %get3A_0 = arith.constant 0 : index
    %get3A_1 = vector.load %arg1[%get3A, %get3A_0] : memref<2048x128xf32, #tpu.memory_space<vmem>>, vector<2048x64xf32>
    %get3A_2 = arith.constant 0 : index
    %get3A_3 = arith.constant 64 : index
    %get3A_4 = vector.load %arg2[%get3A_2, %get3A_3] : memref<2048x128xf32, #tpu.memory_space<vmem>>, vector<2048x64xf32>
    %get3A_5 = arith.constant 0 : index
    %get3A_6 = arith.constant 0 : index
    %get3A_7 = vector.load %arg4[%get3A_5, %get3A_6] : memref<32x64xf32, #tpu.memory_space<vmem>>, vector<32x64xf32>
    %dot_general3A = arith.constant dense<0.000000e+00> : vector<32x2048xf32>
    %dot_general3A_8 = tpu.matmul %get3A_7, %get3A_1, %dot_general3A {dimension_numbers = #tpu.dot_dimension_numbers<[1], [1], [0], [0], [0, 0, 1, 0], [], []>, transpose_lhs_hint = false} : vector<32x64xf32>, vector<2048x64xf32>, vector<32x2048xf32> -> vector<32x2048xf32>
    %get3A_9 = arith.constant 0 : index
    %get3A_10 = arith.constant 0 : index
    %get3A_11 = vector.load %arg5[%get3A_9, %get3A_10] : memref<32x1xf32, #tpu.memory_space<vmem>>, vector<32x1xf32>
    %add3A = vector.broadcast %get3A_11 : vector<32x1xf32> to vector<32x2048xf32>
    %add3A_12 = arith.addf %dot_general3A_8, %add3A : vector<32x2048xf32>
    %max3A = arith.constant 0.000000e+00 : f32
    %max3A_13 = vector.broadcast %max3A : f32 to vector<32x2048xf32>
    %max3A_14 = arith.maximumf %add3A_12, %max3A_13 : vector<32x2048xf32>
    %get3A_15 = arith.constant 0 : index
    %get3A_16 = arith.constant 0 : index
    %get3A_17 = vector.load %arg4[%get3A_15, %get3A_16] : memref<32x64xf32, #tpu.memory_space<vmem>>, vector<32x64xf32>
    %dot_general3A_18 = arith.constant dense<0.000000e+00> : vector<32x2048xf32>
    %dot_general3A_19 = tpu.matmul %get3A_17, %get3A_4, %dot_general3A_18 {dimension_numbers = #tpu.dot_dimension_numbers<[1], [1], [0], [0], [0, 0, 1, 0], [], []>, transpose_lhs_hint = false} : vector<32x64xf32>, vector<2048x64xf32>, vector<32x2048xf32> -> vector<32x2048xf32>
    %get3A_20 = arith.constant 0 : index
    %get3A_21 = arith.constant 0 : index
    %get3A_22 = vector.load %arg5[%get3A_20, %get3A_21] : memref<32x1xf32, #tpu.memory_space<vmem>>, vector<32x1xf32>
    %add3A_23 = vector.broadcast %get3A_22 : vector<32x1xf32> to vector<32x2048xf32>
    %add3A_24 = arith.addf %dot_general3A_19, %add3A_23 : vector<32x2048xf32>
    %max3A_25 = arith.constant 0.000000e+00 : f32
    %max3A_26 = vector.broadcast %max3A_25 : f32 to vector<32x2048xf32>
    %max3A_27 = arith.maximumf %add3A_24, %max3A_26 : vector<32x2048xf32>
    %get3A_28 = arith.constant 0 : index
    %get3A_29 = arith.constant 0 : index
    %get3A_30 = vector.load %arg8[%get3A_28, %get3A_29] : memref<32x32xf32, #tpu.memory_space<vmem>>, vector<32x32xf32>
    %get3A_31 = arith.constant 0 : index
    %get3A_32 = arith.constant 0 : index
    %get3A_33 = vector.load %arg6[%get3A_31, %get3A_32] : memref<32x32xf32, #tpu.memory_space<vmem>>, vector<32x32xf32>
    %dot_general3A_34 = arith.constant dense<0.000000e+00> : vector<32x2048xf32>
    %dot_general3A_35 = tpu.matmul %get3A_33, %max3A_14, %dot_general3A_34 {dimension_numbers = #tpu.dot_dimension_numbers<[1], [0], [0], [1], [0, 0, 1, 1], [], []>, transpose_lhs_hint = false} : vector<32x32xf32>, vector<32x2048xf32>, vector<32x2048xf32> -> vector<32x2048xf32>
    %get3A_36 = arith.constant 0 : index
    %get3A_37 = arith.constant 0 : index
    %get3A_38 = vector.load %arg7[%get3A_36, %get3A_37] : memref<32x1xf32, #tpu.memory_space<vmem>>, vector<32x1xf32>
    %add3A_39 = vector.broadcast %get3A_38 : vector<32x1xf32> to vector<32x2048xf32>
    %add3A_40 = arith.addf %dot_general3A_35, %add3A_39 : vector<32x2048xf32>
    %max3A_41 = arith.constant 0.000000e+00 : f32
    %max3A_42 = vector.broadcast %max3A_41 : f32 to vector<32x2048xf32>
    %max3A_43 = arith.maximumf %add3A_40, %max3A_42 : vector<32x2048xf32>
    %dot_general3A_44 = arith.constant dense<0.000000e+00> : vector<32x2048xf32>
    %dot_general3A_45 = tpu.matmul %get3A_30, %max3A_43, %dot_general3A_44 {dimension_numbers = #tpu.dot_dimension_numbers<[1], [0], [0], [1], [0, 0, 1, 1], [], []>, transpose_lhs_hint = false} : vector<32x32xf32>, vector<32x2048xf32>, vector<32x2048xf32> -> vector<32x2048xf32>
    %get3A_46 = arith.constant 0 : index
    %get3A_47 = arith.constant 0 : index
    %get3A_48 = vector.load %arg9[%get3A_46, %get3A_47] : memref<32x1xf32, #tpu.memory_space<vmem>>, vector<32x1xf32>
    %add3A_49 = vector.broadcast %get3A_48 : vector<32x1xf32> to vector<32x2048xf32>
    %add3A_50 = arith.addf %dot_general3A_45, %add3A_49 : vector<32x2048xf32>
    %get3A_51 = arith.constant 0 : index
    %get3A_52 = arith.constant 0 : index
    %get3A_53 = vector.load %arg8[%get3A_51, %get3A_52] : memref<32x32xf32, #tpu.memory_space<vmem>>, vector<32x32xf32>
    %get3A_54 = arith.constant 0 : index
    %get3A_55 = arith.constant 0 : index
    %get3A_56 = vector.load %arg6[%get3A_54, %get3A_55] : memref<32x32xf32, #tpu.memory_space<vmem>>, vector<32x32xf32>
    %dot_general3A_57 = arith.constant dense<0.000000e+00> : vector<32x2048xf32>
    %dot_general3A_58 = tpu.matmul %get3A_56, %max3A_27, %dot_general3A_57 {dimension_numbers = #tpu.dot_dimension_numbers<[1], [0], [0], [1], [0, 0, 1, 1], [], []>, transpose_lhs_hint = false} : vector<32x32xf32>, vector<32x2048xf32>, vector<32x2048xf32> -> vector<32x2048xf32>
    %get3A_59 = arith.constant 0 : index
    %get3A_60 = arith.constant 0 : index
    %get3A_61 = vector.load %arg7[%get3A_59, %get3A_60] : memref<32x1xf32, #tpu.memory_space<vmem>>, vector<32x1xf32>
    %add3A_62 = vector.broadcast %get3A_61 : vector<32x1xf32> to vector<32x2048xf32>
    %add3A_63 = arith.addf %dot_general3A_58, %add3A_62 : vector<32x2048xf32>
    %max3A_64 = arith.constant 0.000000e+00 : f32
    %max3A_65 = vector.broadcast %max3A_64 : f32 to vector<32x2048xf32>
    %max3A_66 = arith.maximumf %add3A_63, %max3A_65 : vector<32x2048xf32>
    %dot_general3A_67 = arith.constant dense<0.000000e+00> : vector<32x2048xf32>
    %dot_general3A_68 = tpu.matmul %get3A_53, %max3A_66, %dot_general3A_67 {dimension_numbers = #tpu.dot_dimension_numbers<[1], [0], [0], [1], [0, 0, 1, 1], [], []>, transpose_lhs_hint = false} : vector<32x32xf32>, vector<32x2048xf32>, vector<32x2048xf32> -> vector<32x2048xf32>
    %get3A_69 = arith.constant 0 : index
    %get3A_70 = arith.constant 0 : index
    %get3A_71 = vector.load %arg9[%get3A_69, %get3A_70] : memref<32x1xf32, #tpu.memory_space<vmem>>, vector<32x1xf32>
    %add3A_72 = vector.broadcast %get3A_71 : vector<32x1xf32> to vector<32x2048xf32>
    %add3A_73 = arith.addf %dot_general3A_68, %add3A_72 : vector<32x2048xf32>
    %concatenate3A = tpu.concatenate %max3A_14, %add3A_50, %max3A_27, %add3A_73 in 0 : vector<32x2048xf32>, vector<32x2048xf32>, vector<32x2048xf32>, vector<32x2048xf32> -> vector<128x2048xf32>
    %get3A_74 = arith.constant 0 : index
    %get3A_75 = arith.constant 0 : index
    %get3A_76 = vector.load %arg10[%get3A_74, %get3A_75] : memref<4x128xf32, #tpu.memory_space<vmem>>, vector<4x128xf32>
    %dot_general3A_77 = arith.constant dense<0.000000e+00> : vector<4x2048xf32>
    %dot_general3A_78 = tpu.matmul %get3A_76, %concatenate3A, %dot_general3A_77 {dimension_numbers = #tpu.dot_dimension_numbers<[1], [0], [0], [1], [0, 0, 1, 1], [], []>, transpose_lhs_hint = false} : vector<4x128xf32>, vector<128x2048xf32>, vector<4x2048xf32> -> vector<4x2048xf32>
    %slice3A = vector.extract_strided_slice %dot_general3A_78 {offsets = [0, 0], sizes = [1, 2048], strides = [1, 1]} : vector<4x2048xf32> to vector<1x2048xf32>
    %slice3A_79 = vector.extract_strided_slice %dot_general3A_78 {offsets = [1, 0], sizes = [1, 2048], strides = [1, 1]} : vector<4x2048xf32> to vector<1x2048xf32>
    %slice3A_80 = vector.extract_strided_slice %dot_general3A_78 {offsets = [2, 0], sizes = [1, 2048], strides = [1, 1]} : vector<4x2048xf32> to vector<1x2048xf32>
    %slice3A_81 = vector.extract_strided_slice %dot_general3A_78 {offsets = [3, 0], sizes = [1, 2048], strides = [1, 1]} : vector<4x2048xf32> to vector<1x2048xf32>
    %get3A_82 = arith.constant 0 : index
    %get3A_83 = arith.constant 0 : index
    %get3A_84 = vector.load %arg3[%get3A_82, %get3A_83] : memref<8x2048xf32, #tpu.memory_space<vmem>>, vector<8x2048xf32>
    %slice3A_85 = vector.extract_strided_slice %get3A_84 {offsets = [0, 0], sizes = [1, 2048], strides = [1, 1]} : vector<8x2048xf32> to vector<1x2048xf32>
    %slice3A_86 = vector.extract_strided_slice %get3A_84 {offsets = [1, 0], sizes = [1, 2048], strides = [1, 1]} : vector<8x2048xf32> to vector<1x2048xf32>
    %slice3A_87 = vector.extract_strided_slice %get3A_84 {offsets = [2, 0], sizes = [1, 2048], strides = [1, 1]} : vector<8x2048xf32> to vector<1x2048xf32>
    %slice3A_88 = vector.extract_strided_slice %get3A_84 {offsets = [3, 0], sizes = [1, 2048], strides = [1, 1]} : vector<8x2048xf32> to vector<1x2048xf32>
    %get3A_89 = arith.constant 0 : index
    %get3A_90 = arith.constant 0 : index
    %get3A_91 = vector.load %arg11[%get3A_89, %get3A_90] : memref<1x2xf32, #tpu.memory_space<vmem>>, vector<1x1xf32>
    %get3A_92 = vector.extract %get3A_91[0, 0] : f32 from vector<1x1xf32>
    %get3A_93 = arith.constant 0 : index
    %get3A_94 = arith.constant 1 : index
    %get3A_95 = vector.load %arg11[%get3A_93, %get3A_94] : memref<1x2xf32, #tpu.memory_space<vmem>>, vector<1x1xf32>
    %get3A_96 = vector.extract %get3A_95[0, 0] : f32 from vector<1x1xf32>
    %add3A_97 = arith.addf %slice3A, %slice3A_85 : vector<1x2048xf32>
    %add3A_98 = vector.broadcast %get3A_92 : f32 to vector<1x2048xf32>
    %add3A_99 = arith.addf %add3A_97, %add3A_98 : vector<1x2048xf32>
    %add3A_100 = arith.addf %slice3A_80, %slice3A_87 : vector<1x2048xf32>
    %add3A_101 = vector.broadcast %get3A_96 : f32 to vector<1x2048xf32>
    %add3A_102 = arith.addf %add3A_100, %add3A_101 : vector<1x2048xf32>
    %add3A_103 = arith.addf %slice3A, %slice3A_86 : vector<1x2048xf32>
    %add3A_104 = vector.broadcast %get3A_92 : f32 to vector<1x2048xf32>
    %add3A_105 = arith.addf %add3A_103, %add3A_104 : vector<1x2048xf32>
    %add3A_106 = arith.addf %slice3A_80, %slice3A_88 : vector<1x2048xf32>
    %add3A_107 = vector.broadcast %get3A_96 : f32 to vector<1x2048xf32>
    %add3A_108 = arith.addf %add3A_106, %add3A_107 : vector<1x2048xf32>
    %add3A_109 = arith.addf %slice3A_79, %slice3A_85 : vector<1x2048xf32>
    %add3A_110 = vector.broadcast %get3A_92 : f32 to vector<1x2048xf32>
    %add3A_111 = arith.addf %add3A_109, %add3A_110 : vector<1x2048xf32>
    %add3A_112 = arith.addf %slice3A_79, %slice3A_86 : vector<1x2048xf32>
    %add3A_113 = vector.broadcast %get3A_92 : f32 to vector<1x2048xf32>
    %add3A_114 = arith.addf %add3A_112, %add3A_113 : vector<1x2048xf32>
    %add3A_115 = arith.addf %slice3A_81, %slice3A_87 : vector<1x2048xf32>
    %add3A_116 = vector.broadcast %get3A_96 : f32 to vector<1x2048xf32>
    %add3A_117 = arith.addf %add3A_115, %add3A_116 : vector<1x2048xf32>
    %add3A_118 = arith.addf %slice3A_81, %slice3A_88 : vector<1x2048xf32>
    %add3A_119 = vector.broadcast %get3A_96 : f32 to vector<1x2048xf32>
    %add3A_120 = arith.addf %add3A_118, %add3A_119 : vector<1x2048xf32>
    %concatenate3A_121 = tpu.concatenate %add3A_99, %add3A_102, %add3A_105, %add3A_108, %add3A_111, %add3A_114, %add3A_117, %add3A_120 in 0 : vector<1x2048xf32>, vector<1x2048xf32>, vector<1x2048xf32>, vector<1x2048xf32>, vector<1x2048xf32>, vector<1x2048xf32>, vector<1x2048xf32>, vector<1x2048xf32> -> vector<8x2048xf32>
    %swap3A = arith.constant 0 : index
    %swap3A_122 = arith.constant 0 : index
    %swap3A_123 = vector.load %arg12[%swap3A, %swap3A_122] : memref<8x2048xf32, #tpu.memory_space<vmem>>, vector<8x2048xf32>
    tpu.vector_store %arg12[%swap3A, %swap3A_122], %concatenate3A_121 {strides = array<i32>} : memref<8x2048xf32, #tpu.memory_space<vmem>>, vector<8x2048xf32>,
    return
  }
  func.func @transform_0(%arg0: i32) -> (i32, i32) {
    %c0_i32 = arith.constant 0 : i32
    %c0_i32_0 = arith.constant 0 : i32
    return %arg0, %c0_i32 : i32, i32
  }
  func.func @transform_1(%arg0: i32) -> (i32, i32) {
    %c0_i32 = arith.constant 0 : i32
    %c0_i32_0 = arith.constant 0 : i32
    return %arg0, %c0_i32 : i32, i32
  }
  func.func @transform_2(%arg0: i32) -> (i32, i32) {
    %c0_i32 = arith.constant 0 : i32
    %c0_i32_0 = arith.constant 0 : i32
    return %c0_i32, %arg0 : i32, i32
  }
  func.func @transform_3(%arg0: i32) -> (i32, i32) {
    %c0_i32 = arith.constant 0 : i32
    %c0_i32_0 = arith.constant 0 : i32
    %c0_i32_1 = arith.constant 0 : i32
    return %c0_i32, %c0_i32_0 : i32, i32
  }
  func.func @transform_4(%arg0: i32) -> (i32, i32) {
    %c0_i32 = arith.constant 0 : i32
    %c0_i32_0 = arith.constant 0 : i32
    %c0_i32_1 = arith.constant 0 : i32
    return %c0_i32, %c0_i32_0 : i32, i32
  }
  func.func @transform_5(%arg0: i32) -> (i32, i32) {
    %c0_i32 = arith.constant 0 : i32
    %c0_i32_0 = arith.constant 0 : i32
    %c0_i32_1 = arith.constant 0 : i32
    return %c0_i32, %c0_i32_0 : i32, i32
  }
  func.func @transform_6(%arg0: i32) -> (i32, i32) {
    %c0_i32 = arith.constant 0 : i32
    %c0_i32_0 = arith.constant 0 : i32
    %c0_i32_1 = arith.constant 0 : i32
    return %c0_i32, %c0_i32_0 : i32, i32
  }
  func.func @transform_7(%arg0: i32) -> (i32, i32) {
    %c0_i32 = arith.constant 0 : i32
    %c0_i32_0 = arith.constant 0 : i32
    %c0_i32_1 = arith.constant 0 : i32
    return %c0_i32, %c0_i32_0 : i32, i32
  }
  func.func @transform_8(%arg0: i32) -> (i32, i32) {
    %c0_i32 = arith.constant 0 : i32
    %c0_i32_0 = arith.constant 0 : i32
    %c0_i32_1 = arith.constant 0 : i32
    return %c0_i32, %c0_i32_0 : i32, i32
  }
  func.func @transform_9(%arg0: i32) -> (i32, i32) {
    %c0_i32 = arith.constant 0 : i32
    %c0_i32_0 = arith.constant 0 : i32
    %c0_i32_1 = arith.constant 0 : i32
    return %c0_i32, %c0_i32_0 : i32, i32
  }
  func.func @transform_10(%arg0: i32) -> (i32, i32) {
    %c0_i32 = arith.constant 0 : i32
    %c0_i32_0 = arith.constant 0 : i32
    %c0_i32_1 = arith.constant 0 : i32
    return %c0_i32, %c0_i32_0 : i32, i32
  }
  func.func @transform_11(%arg0: i32) -> (i32, i32) {
    %c0_i32 = arith.constant 0 : i32
    %c0_i32_0 = arith.constant 0 : i32
    return %c0_i32, %arg0 : i32, i32
  }
}

</mosaic_0001>

<sc_bundles>
// kernel: kernel.10.cloned.1.call-start
scs
__scs_entry_jumppad:
0x0: {  	(pc) =	sbr.rel $0x88, $3  }
0x1: {  	(tag) =	ssettag $0x0;
	lr =	simm.s32 $0x1  }
0x2: {  	[smem:$0x3F91] =	sst lr;
	_ =	strace $0xD0000000  }
0x3: {  	_ = 	snop  }
0x4: {  	_ = 	snop  }
0x5: {  	_ = 	snop  }
0x6: {  	_ = 	snop  }
0x7: {  	_ = 	snop  }
__scs_overlays_trampoline_lowered:
0x8: {  	[smem:$0x3FA0] =	sst s0  }
0x9: {  	[smem:$0x3FA1] =	sst s1  }
0xa: {  	[smem:$0x3FA2] =	sst s2  }
0xb: {  	[smem:$0x3FA3] =	sst s3  }
0xc: {  	[smem:$0x3FA4] =	sst s4  }
0xd: {  	[smem:$0x3FA5] =	sst s5  }
0xe: {  	[smem:$0x3FA6] =	sst s6  }
0xf: {  	[smem:$0x3FA7] =	sst s7  }
0x10: {  	[smem:$0x3FA8] =	sst s8  }
0x11: {  	[smem:$0x3FA9] =	sst s9;
	s0 =	simm.s32 @!p0 $0x0  }
0x12: {  	s1 =	sld [smem:$0x3F8F];
	s0 =	simm.s32 @p0 $0x1  }
0x13: {  	[smem:$0x3FAA] =	sst s0;
	s0 =	simm.s32 @!p1 $0x0  }
0x14: {  	s2 =	sld [smem:$0x3F8E];
	s0 =	simm.s32 @p1 $0x1  }
0x15: {  	[smem:$0x3FAB] =	sst s0;
	s0 =	simm.s32 @!p2 $0x0  }
0x16: {  	s3 =	sld [smem:$0x3FDB];
	s0 =	simm.s32 @p2 $0x1  }
0x17: {  	s4 =	simm.s32 $0x1BF5;
	[smem:$0x3FAD] =	sst s0  }
0x18: {  	s0 =	sld [smem:$0x3F90];
	_ =	swait.ge [sflag:s4], $0x0  }
0x19: {  	s7 =	sld [smem:$0x3F91]  }
0x1a: {  	s8 =	sadd.s32 $0xFFFFE003, lr  }
0x1b: {  	s9 =	sadd.s32 $0xFFFFFEF7, lr;
	s5 =	simm.s32 $0xFFFFFFFF;
	p2 =	slt.u32 s8, $0xFFFFF086  }
0x1c: {  	p1 =	slt.u32 s9, $0xF7A;
	s5 =	simm.s32 @!p2 $0x0  }
0x1d: {  	s5 =	simm.s32 @p1 $0x1;
	p0 =	seq.s32 s7, s2  }
0x1e: {  	s7 =	smul.u32 @!p0 $0xF7A, s2;
	p2 =	seq.s32 @!p0 s5, $0x0  }
0x1f: {  	s9 =	smul.u32 $0xF7A, s1;
	s8 =	simm.s32 @!p0 $0x1BF5;
	p2 =	por !p2, p0  }
0x20: {  	[sflag:s8] =	ssyncset.s32 @!p0 $0xFFFFF086;
	s6 =	sadd.s32 @!p0 s3, s7;
	s7 =	simm.s32 @!p0 $0x108  }
0x21: {  	s3 =	sadd.s32 s3, s9;
	s6 =	sadd.s32 @!p0 $0x88, s6;
	s7 =	simm.s32 @p2 $0x1082  }
0x22: {  	[simem:s7], [sflag:s8] =	dma.local @!p0 [hbm:s6], $0xF7A  }
0x23: {  	s9 =	sor.u32 $0xD0000000, s2;
	s6 =	simm.s32 $0x108;
	_ =	swait.ge @!p0 [sflag:s8], $0x0  }
0x24: {  	s3 =	sadd.s32 $0x88, s3;
	s6 =	simm.s32 @!p1 $0x1082;
	[sflag:s4] =	ssyncset.s32 $0xFFFFF086  }
0x25: {  	[simem:s6], [sflag:s4] =	dma.local [hbm:s3], $0xF7A  }
0x26: {  	[smem:$0x3F91] =	sst s1;
	(tag) =	ssettag s2;
	_ =	strace s9  }
0x27: {  	s1 =	sld [smem:$0x3FA1]  }
0x28: {  	s2 =	sld [smem:$0x3FA2]  }
0x29: {  	s4 =	sld [smem:$0x3FA4]  }
0x2a: {  	p0 =	seq.s32 s5, $0x0;
	s5 =	sld [smem:$0x3FA5]  }
0x2b: {  	s6 =	sld [smem:$0x3FA6]  }
0x2c: {  	s7 =	sld [smem:$0x3FA7]  }
0x2d: {  	s3 =	simm.s32 $0x108;
	s8 =	sld [smem:$0x3FA8]  }
0x2e: {  	s3 =	simm.s32 @!p0 $0x1082;
	s9 =	sld [smem:$0x3FA9]  }
0x2f: {  	lr =	sadd.s32 s0, s3;
	s0 =	sld [smem:$0x3FA0]  }
0x30: {  	s3 =	sld [smem:$0x3FA3]  }
0x31: {  	[smem:$0x3FAC] =	sst s10  }
0x32: {  	s10 =	sld [smem:$0x3FAA];
	_ =	sdelay $0x3  }
0x33: {  	p0 =	seq.s32 s10, $0x1;
	s10 =	sld [smem:$0x3FAC];
	_ =	sdelay $0x3  }
0x34: {  	[smem:$0x3FAC] =	sst s10  }
0x35: {  	s10 =	sld [smem:$0x3FAB];
	_ =	sdelay $0x3  }
0x36: {  	p1 =	seq.s32 s10, $0x1;
	s10 =	sld [smem:$0x3FAC];
	_ =	sdelay $0x3  }
0x37: {  	[smem:$0x3FAC] =	sst s10  }
0x38: {  	s10 =	sld [smem:$0x3FAD]  }
0x39: {  	_ = 	snop;
	(pc) =	sbr.ind lr, $3  }
0x3a: {  	_ = 	snop  }
0x3b: {  	_ = 	snop  }
0x3c: {  	p2 =	seq.s32 s10, $0x1;
	s10 =	sld [smem:$0x3FAC]  }
0x3d: {  	_ =	shalt  }
0x3e: {  	_ =	shalt  }
0x3f: {  	_ =	shalt  }
0x40: {  	_ =	shalt  }
0x41: {  	_ =	shalt  }
0x42: {  	_ =	shalt  }
0x43: {  	_ =	shalt  }
0x44: {  	_ =	shalt  }
0x45: {  	_ =	shalt  }
0x46: {  	_ =	shalt  }
0x47: {  	_ =	shalt  }
0x48: {  	_ =	shalt  }
0x49: {  	_ =	shalt  }
0x4a: {  	_ =	shalt  }
0x4b: {  	_ =	shalt  }
0x4c: {  	_ =	shalt  }
0x4d: {  	_ =	shalt  }
0x4e: {  	_ =	shalt  }
0x4f: {  	_ =	shalt  }
0x50: {  	_ =	shalt  }
0x51: {  	_ =	shalt  }
0x52: {  	_ =	shalt  }
0x53: {  	_ =	shalt  }
0x54: {  	_ =	shalt  }
0x55: {  	_ =	shalt  }
0x56: {  	_ =	shalt  }
0x57: {  	_ =	shalt  }
0x58: {  	_ =	shalt  }
0x59: {  	_ =	shalt  }
0x5a: {  	_ =	shalt  }
0x5b: {  	_ =	shalt  }
0x5c: {  	_ =	shalt  }
0x5d: {  	_ =	shalt  }
0x5e: {  	_ =	shalt  }
0x5f: {  	_ =	shalt  }
0x60: {  	_ =	shalt  }
0x61: {  	_ =	shalt  }
0x62: {  	_ =	shalt  }
0x63: {  	_ =	shalt  }
0x64: {  	_ =	shalt  }
0x65: {  	_ =	shalt  }
0x66: {  	_ =	shalt  }
0x67: {  	_ =	shalt  }
0x68: {  	_ =	shalt  }
0x69: {  	_ =	shalt  }
0x6a: {  	_ =	shalt  }
0x6b: {  	_ =	shalt  }
0x6c: {  	_ =	shalt  }
0x6d: {  	_ =	shalt  }
0x6e: {  	_ =	shalt  }
0x6f: {  	_ =	shalt  }
0x70: {  	_ =	shalt  }
0x71: {  	_ =	shalt  }
0x72: {  	_ =	shalt  }
0x73: {  	_ =	shalt  }
0x74: {  	_ =	shalt  }
0x75: {  	_ =	shalt  }
0x76: {  	_ =	shalt  }
0x77: {  	_ =	shalt  }
0x78: {  	_ =	shalt  }
0x79: {  	_ =	shalt  }
0x7a: {  	_ =	shalt  }
0x7b: {  	_ =	shalt  }
0x7c: {  	_ =	shalt  }
0x7d: {  	_ =	shalt  }
0x7e: {  	_ =	shalt  }
0x7f: {  	_ =	shalt  }
0x80: {  	_ =	shalt  }
0x81: {  	_ =	shalt  }
0x82: {  	_ =	shalt  }
0x83: {  	_ =	shalt  }
0x84: {  	_ =	shalt  }
0x85: {  	_ =	shalt  }
0x86: {  	_ =	shalt  }
0x87: {  	_ =	shalt  }
.Lfunc_end0:
.L_simem_size_0:
called_computation.1_lowered:
.L_overlay_start_0:
0x88: {  	s2 =	sld [smem:$0x3FD9]  }
0x89: {  	s3 =	sld [smem:$0x3FFE];
	_ =	sdelay $0x1  }
0x8a: {  	s1 =	srdreg.scid  }
0x8b: {  	s0 =	sand.u32 $0x1, s1  }
0x8c: {  	s17 =	sshll.u32 s0, $0xA;
	s2 =	sadd.s32 s3, s2  }
0x8d: {  	s2 =	sadd.s32 s2, s17  }
0x8e: {  	[smem:$0x3FB8] =	sst s2  }
0x8f: {  	_ = 	snop  }
0x90: {  	(tm) =	ssettm $0x1  }
0x91: {  	s18 =	sld [smem:$0x3FFB];
	_ =	sdelay $0x3  }
0x92: {  	_ =	strace s18  }
0x93: {  	s2 =	sld [smem:$0x3FFC];
	_ =	sdelay $0x3  }
0x94: {  	_ =	strace s2  }
0x95: {  	s2 =	sld [smem:$0x3FFD];
	_ =	sdelay $0x3  }
0x96: {  	_ =	strace s2  }
0x97: {  	_ =	strace $0x8FFFFFFF  }
0x98: {  	s19 =	sld [smem:$0x3FDB];
	_ =	sdelay $0x1  }
0x99: {  	s20 =	simm.s32 $_scs_section_size  }
0x9a: {  	s4 =	simm.s32 $_size__tile_overlayer_lowered;
	s5 =	simm.s32 $_tile_overlayer_lowered  }
0x9b: {  	s6 =	simm.s32 $0x1BFF;
	s21 =	sshll.u32 s5, $0x1;
	s3 =	sadd.s32 s20, s19  }
0x9c: {  	s22 =	simm.s32 $0x0;
	s4 =	sshll.u32 s4, $0x1;
	s5 =	sadd.s32 s21, s3  }
0x9d: {  	[timem:s22], [sflag:s6] =	dma.local [hbm:s5], s4  }
0x9e: {  	_ =	swait.ge [sflag:s6], s4  }
0x9f: {  	s4 =	ssub.s32 $0x0, s4;
	[sflag:s6] =	ssyncset.done $0x0  }
0xa0: {  	[sflag:s6] =	ssyncadd.s32 s4;
	_ =	sdelay $0x1  }
0xa1: {  	s23 =	simm.s32 $0x1B8B  }
0xa2: {  	_ =	swait.ge [sflag:s23], $0x1  }
0xa3: {  	[sflag:s23] =	ssyncset.done $0x0  }
0xa4: {  	[sflag:s23] =	ssyncadd.s32 $0xFFFFFFFF  }
0xa5: {  	s4 =	sld [smem:$0x0]  }
0xa6: {  	s5 =	sand.u32 $0xFFFFFFFE, s1  }
0xa7: {  	p0 =	sne.s32 s1, s5  }
0xa8: {  	s5 =	sshll.u32 @p0 s5, $0xE  }
0xa9: {  	s5 =	sadd.s32 @p0 $0x11B8D, s5;
	s6 =	sshll.u32 @p0 s4, $0x11  }
0xaa: {  	s5 =	sor.u32 @p0 s6, s5  }
0xab: {  	[sflag:s5] =	ssyncadd.remote.s32 @p0 $0x1;
	_ =	sdelay $0x1  }
0xac: {  	s5 =	simm.s32 @p0 $0x1B8D  }
0xad: {  	_ =	swait.eq @p0 [sflag:s5], $0x1  }
0xae: {  	[sflag:s5] =	ssyncadd.s32 @p0 $0xFFFFFFFF  }
0xaf: {  	s6 =	sshll.u32 @!p0 s1, $0xE  }
0xb0: {  	s6 =	sor.u32 @!p0 $0x4000, s6;
	s5 =	simm.s32 @!p0 $0x1B8D  }
0xb1: {  	s4 =	sshll.u32 @!p0 s4, $0x11;
	s6 =	sadd.s32 @!p0 $0x11B8D, s6;
	_ =	swait.eq @!p0 [sflag:s5], $0x1  }
0xb2: {  	s4 =	sor.u32 @!p0 s4, s6;
	[sflag:s5] =	ssyncadd.s32 @!p0 $0xFFFFFFFF  }
0xb3: {  	s25 =	simm.s32 $0x1B8E;
	s24 =	sld [smem:$0x3FFE];
	[sflag:s4] =	ssyncadd.remote.s32 @!p0 $0x1  }
0xb4: {  	s26 =	simm.s32 $execute0_lowered;
	[smem:$0x3FD2] =	sst s25  }
0xb5: {  	s5 =	sshll.u32 s26, $0x1;
	_ =	strace $0x80000049;
	[dreg:$0x1] =	wrdreg $0xFFFFFFFF  }
0xb6: {  	s28 =	simm.s32 $_size_execute0_lowered;
	s3 =	sadd.s32 s3, s5;
	[dreg:$0x0] =	wrdreg $0x0  }
0xb7: {  	s5 =	sshll.u32 s28, $0x1;
	[dreg:$0x2] =	wrdreg s3  }
0xb8: {  	[dreg:$0x3] =	wrdreg s5  }
0xb9: {  	[dreg:$0x4] =	wrdreg $0xC0  }
0xba: {  	_ =	task [dreg:s22], $0x5FFFF  }
0xbb: {  	[dreg:$0x1] =	wrdreg $0xFFFFFFFF  }
0xbc: {  	[dreg:$0x0] =	wrdreg $0x60  }
0xbd: {  	[dreg:$0x2] =	wrdreg s24  }
0xbe: {  	[dreg:$0x3] =	wrdreg $0xA  }
0xbf: {  	_ =	task.clear_ibuf [dreg:s22], $0x4FFFF;
	_ =	strace $0x90000049  }
0xc0: {  	s29 =	simm.s32 $0xA;
	_ =	strace $0x8000004B  }
0xc1: {  	_ =	swait.ge [sflag:s29], $0x1  }
0xc2: {  	[sflag:s29] =	ssyncadd.s32 $0xFFFFFFFF  }
0xc3: {  	_ =	strace $0x9000004B  }
0xc4: {  	_ =	sfence  }
0xc5: {  	s30 =	sld [smem:$0x0];
	_ =	sdelay $0x2  }
0xc6: {  	s31 =	sshll.u32 s1, $0xD;
	s1 =	sshrl.u32 s1, $0x2  }
0xc7: {  	s4 =	sand.u32 $0x4000, s31;
	s1 =	sadd.s32 s1, s30  }
0xc8: {  	s0 =	sor.u32 s4, s0;
	s1 =	sshll.u32 s1, $0x11  }
0xc9: {  	s0 =	sor.u32 s1, s0  }
0xca: {  	s0 =	sadd.s32 $0x8F2B, s0  }
0xcb: {  	[sflag:s0] =	ssyncadd.remote.s32 $0x1  }
0xcc: {  	_ =	sfence.sel $0xFFFF  }
0xcd: {  	[dreg:$0x0] =	wrdreg $0xFFFFFFFF;
	(pc) =	sbr.abs _section_cstart, $3  }
0xce: {  	[dreg:$0x1] =	wrdreg $0xFFFFFFFF  }
0xcf: {  	_ =	task.clear_ibuf [dreg:s22], $0x2FFFF;
	_ =	strace $0x9FFFFFFF  }
0xd0: {  	(tm) =	ssettm $0x7FFFFFFF  }
0xd1: {  	_ =	shalt  }
tec
execute0_lowered:
.L_overlay_start_1:
0x0: {  	(tag) =	ssettag $0x1  }
0x1: {  	s1 =	srdreg.scid;
	s0 =	stileid.u32  }
0x2: {  	s14 =	sand.u32 $0x1, s1;
	s30 =	sshll.u32 s0, $0x1  }
0x3: {  	s15 =	rddreg [dreg:$0x0];
	s16 =	sor.u32 s14, s30  }
0x4: {  	s2 =	simm.s32 $0x0;
	s1 =	rddreg [dreg:$0x1];
	s3 =	sshll.u32 s16, $0x6  }
0x5: {  	[smem:$0x7FF] =	sst s2;
	s3 =	sadd.s32 s3, s15  }
0x6: {  	_ =	strace $0x8000004A;
	s4 =	sadd.s32 $0x6E00, s3;
	s3 =	simm.s32 $0x2  }
0x7: {  	[tilespmem:s2], [sflag:$0x2] =	stream.linear.gather [hbm4b:s4+s2], $0x200, $0x38;
	[tilespmem:$0x8200] =	vst v63  }
0x8: {  	_ =	swait.ge [sflag:s3], $0x200  }
0x9: {  	s6 =	simm.s32 $0x80;
	[sflag:s3] =	ssyncset.done $0x0  }
0xa: {  	s7 =	simm.s32 $0x200;
	s5 =	sadd.s32 $0x1A8000, s15;
	[sflag:s3] =	ssyncadd.s32 $0xFFFFFE00  }
0xb: {  	[tilespmem:s7], [sflag:$0x1] =	stream.indirect.gather [hbm4b:s5+s6], $0x40, s2, s6, $0xb8;
	[tilespmem:$0x8200] =	vst v63  }
0xc: {  	s8 =	simm.s32 $0x2200  }
0xd: {  	[tilespmem:s8], [sflag:$0x1] =	stream.indirect.gather [hbm4b:s5+s6], $0x40, s6, s6, $0xb8;
	[tilespmem:$0x8200] =	vst v63  }
0xe: {  	s9 =	simm.s32 $0x100;
	s10 =	simm.s32 $0x4200  }
0xf: {  	[tilespmem:s10], [sflag:$0x1] =	stream.indirect.gather [hbm4b:s5+s6], $0x40, s9, s6, $0xb8;
	[tilespmem:$0x8200] =	vst v63  }
0x10: {  	s11 =	simm.s32 $0x180;
	s12 =	simm.s32 $0x6200;
	s13 =	simm.s32 $0x1  }
0x11: {  	[tilespmem:s12], [sflag:$0x1] =	stream.indirect.gather [hbm4b:s5+s6], $0x40, s11, s6, $0xb8;
	[tilespmem:$0x8200] =	vst v63  }
0x12: {  	_ =	swait.ge [sflag:s13], $0x2000  }
0x13: {  	[sflag:s13] =	ssyncset.done $0x0  }
0x14: {  	[sflag:s13] =	ssyncadd.s32 $0xFFFFE000  }
0x15: {  	_ =	swait.ge [sflag:s13], $0x2000  }
0x16: {  	[sflag:s13] =	ssyncset.done $0x0  }
0x17: {  	s14 =	ssub.s32 $0x2, s14;
	[sflag:s13] =	ssyncadd.s32 $0xFFFFE000  }
0x18: {  	s16 =	sshll.u32 s16, $0xD;
	s31 =	sshrl.u32 s14, $0x1;
	_ =	swait.ge [sflag:s13], $0x2000  }
0x19: {  	s15 =	sadd.s32 s16, s15;
	s16 =	ssub.s32 s14, s31;
	[sflag:s13] =	ssyncset.done $0x0  }
0x1a: {  	s16 =	smax.u32 s16, $0x1;
	[sflag:s13] =	ssyncadd.s32 $0xFFFFE000  }
0x1b: {  	p0 =	sne.s32 s16, $0x1;
	_ =	swait.ge [sflag:s13], $0x2000  }
.Ltmp0:
0x1c: {  	[sflag:s13] =	ssyncset.done $0x0;
	(pc) =	sbr.rel @!p0 .LBB2_2-.Ltmp0, $4  }
0x1d: {  	s14 =	sadd.s32 $0x21600, s15;
	s15 =	simm.s32 $0x40;
	[sflag:s13] =	ssyncadd.s32 $0xFFFFE000  }
0x1e: {  	[hbm4b:s14+s15] =	stream.strided.scatter [tilespmem:s7], [sflag:$0x2], $0x8000, s6, s15, $0x38;
	[tilespmem:$0x8200] =	vst v63  }
0x1f: {  	_ =	swait.ge [sflag:s3], $0x8000  }
0x20: {  	s16 =	sadd.s32 $0xFFFFFFFF, s16;
	[sflag:s3] =	ssyncset.done $0x0  }
.LBB2_1:
0x21: {  	p0 =	sne.s32 s16, $0x1;
	s16 =	sadd.s32 $0xFFFFFFFF, s16;
	[sflag:s3] =	ssyncadd.s32 $0xFFFF8000  }
0x22: {  	[tilespmem:s2], [sflag:$0x2] =	stream.linear.gather [hbm4b:s4+s2], $0x200, $0x38;
	[tilespmem:$0x8200] =	vst v63  }
0x23: {  	_ =	swait.ge [sflag:s3], $0x200  }
0x24: {  	[sflag:s3] =	ssyncset.done $0x0  }
0x25: {  	[sflag:s3] =	ssyncadd.s32 $0xFFFFFE00  }
0x26: {  	[tilespmem:s7], [sflag:$0x1] =	stream.indirect.gather [hbm4b:s5+s6], $0x40, s2, s6, $0xb8;
	[tilespmem:$0x8200] =	vst v63  }
0x27: {  	_ = 	snop  }
0x28: {  	[tilespmem:s8], [sflag:$0x1] =	stream.indirect.gather [hbm4b:s5+s6], $0x40, s6, s6, $0xb8;
	[tilespmem:$0x8200] =	vst v63  }
0x29: {  	_ = 	snop  }
0x2a: {  	[tilespmem:s10], [sflag:$0x1] =	stream.indirect.gather [hbm4b:s5+s6], $0x40, s9, s6, $0xb8;
	[tilespmem:$0x8200] =	vst v63  }
0x2b: {  	_ = 	snop  }
0x2c: {  	[tilespmem:s12], [sflag:$0x1] =	stream.indirect.gather [hbm4b:s5+s6], $0x40, s11, s6, $0xb8;
	[tilespmem:$0x8200] =	vst v63  }
0x2d: {  	_ =	swait.ge [sflag:s13], $0x2000  }
0x2e: {  	[sflag:s13] =	ssyncset.done $0x0  }
0x2f: {  	[sflag:s13] =	ssyncadd.s32 $0xFFFFE000  }
0x30: {  	_ =	swait.ge [sflag:s13], $0x2000  }
0x31: {  	[sflag:s13] =	ssyncset.done $0x0  }
0x32: {  	[sflag:s13] =	ssyncadd.s32 $0xFFFFE000  }
0x33: {  	_ =	swait.ge [sflag:s13], $0x2000  }
0x34: {  	[sflag:s13] =	ssyncset.done $0x0  }
0x35: {  	[sflag:s13] =	ssyncadd.s32 $0xFFFFE000  }
0x36: {  	_ =	swait.ge [sflag:s13], $0x2000  }
.Ltmp1:
0x37: {  	[sflag:s13] =	ssyncset.done $0x0;
	(pc) =	sbr.rel @p0 .LBB2_1-.Ltmp1, $4  }
0x38: {  	[sflag:s13] =	ssyncadd.s32 $0xFFFFE000  }
0x39: {  	[hbm4b:s14+s15] =	stream.strided.scatter [tilespmem:s7], [sflag:$0x2], $0x8000, s6, s15, $0x38;
	[tilespmem:$0x8200] =	vst v63  }
0x3a: {  	_ =	swait.ge [sflag:s3], $0x8000  }
0x3b: {  	[sflag:s3] =	ssyncset.done $0x0  }
.LBB2_2:
0x3c: {  	[sflag:s3] =	ssyncadd.s32 $0xFFFF8000  }
0x3d: {  	_ =	sfence.sel $0x180000  }
0x3e: {  	[bflag:$0x0] =	sbarrier.arrive $0xFFFF  }
0x3f: {  	p0 =	sne.s32 s0, $0x0;
	_ =	strace $0x9000004A  }
0x40: {  	s0 =	sadd.s32 @!p0 $0x100000, s1;
	[bflag:$0x2] =	sbarrier.arrive $0xFFFF  }
0x41: {  	[sflag:s0] =	ssyncadd.tile.s32 @!p0 $0x1;
	_ =	shalt  }
.Lfunc_end2:
_tile_overlayer_lowered:
.L_overlay_start_2:
0x42: {  	(tag) =	ssettag $0x2  }
0x43: {  	s0 =	rddreg [dreg:$0x0];
	s2 =	stileid.u32  }
0x44: {  	s1 =	rddreg [dreg:$0x1];
	p0 =	sne.s32 s2, $0x0  }
0x45: {  	s3 =	rddreg [dreg:$0x2];
	[bflag:$0x3] =	sbarrier.arrive $0xFFFF;
	s2 =	simm.s32 @!p0 $0x1C02  }
0x46: {  	[timem:s3], [sflag:s2] =	dma.local @!p0 [hbm:s0], s1  }
0x47: {  	s0 =	simm.s32 @!p0 $0x2  }
0x48: {  	_ =	swait.ge @!p0 [sflag:s0], s1  }
0x49: {  	s1 =	ssub.s32 @!p0 $0x0, s1;
	[sflag:s0] =	ssyncset.done @!p0 $0x0  }
0x4a: {  	[sflag:s0] =	ssyncadd.s32 @!p0 s1  }
0x4b: {  	[bflag:$0x3] =	sbarrier.arrive $0xFFFF  }
0x4c: {  	_ =	shalt  }

// kernel: kernel.13.cloned.1.call-start
scs
__scs_entry_jumppad:
0x0: {  	(pc) =	sbr.rel $0x88, $3  }
0x1: {  	(tag) =	ssettag $0x0;
	lr =	simm.s32 $0x1  }
0x2: {  	[smem:$0x3F91] =	sst lr;
	_ =	strace $0xD0000000  }
0x3: {  	_ = 	snop  }
0x4: {  	_ = 	snop  }
0x5: {  	_ = 	snop  }
0x6: {  	_ = 	snop  }
0x7: {  	_ = 	snop  }
__scs_overlays_trampoline_lowered:
0x8: {  	[smem:$0x3FA0] =	sst s0  }
0x9: {  	[smem:$0x3FA1] =	sst s1  }
0xa: {  	[smem:$0x3FA2] =	sst s2  }
0xb: {  	[smem:$0x3FA3] =	sst s3  }
0xc: {  	[smem:$0x3FA4] =	sst s4  }
0xd: {  	[smem:$0x3FA5] =	sst s5  }
0xe: {  	[smem:$0x3FA6] =	sst s6  }
0xf: {  	[smem:$0x3FA7] =	sst s7  }
0x10: {  	[smem:$0x3FA8] =	sst s8  }
0x11: {  	[smem:$0x3FA9] =	sst s9;
	s0 =	simm.s32 @!p0 $0x0  }
0x12: {  	s1 =	sld [smem:$0x3F8F];
	s0 =	simm.s32 @p0 $0x1  }
0x13: {  	[smem:$0x3FAA] =	sst s0;
	s0 =	simm.s32 @!p1 $0x0  }
0x14: {  	s2 =	sld [smem:$0x3F8E];
	s0 =	simm.s32 @p1 $0x1  }
0x15: {  	[smem:$0x3FAB] =	sst s0;
	s0 =	simm.s32 @!p2 $0x0  }
0x16: {  	s3 =	sld [smem:$0x3FDB];
	s0 =	simm.s32 @p2 $0x1  }
0x17: {  	s4 =	simm.s32 $0x1BF5;
	[smem:$0x3FAD] =	sst s0  }
0x18: {  	s0 =	sld [smem:$0x3F90];
	_ =	swait.ge [sflag:s4], $0x0  }
0x19: {  	s7 =	sld [smem:$0x3F91]  }
0x1a: {  	s8 =	sadd.s32 $0xFFFFE003, lr  }
0x1b: {  	s9 =	sadd.s32 $0xFFFFFEF7, lr;
	s5 =	simm.s32 $0xFFFFFFFF;
	p2 =	slt.u32 s8, $0xFFFFF086  }
0x1c: {  	p1 =	slt.u32 s9, $0xF7A;
	s5 =	simm.s32 @!p2 $0x0  }
0x1d: {  	s5 =	simm.s32 @p1 $0x1;
	p0 =	seq.s32 s7, s2  }
0x1e: {  	s7 =	smul.u32 @!p0 $0xF7A, s2;
	p2 =	seq.s32 @!p0 s5, $0x0  }
0x1f: {  	s9 =	smul.u32 $0xF7A, s1;
	s8 =	simm.s32 @!p0 $0x1BF5;
	p2 =	por !p2, p0  }
0x20: {  	[sflag:s8] =	ssyncset.s32 @!p0 $0xFFFFF086;
	s6 =	sadd.s32 @!p0 s3, s7;
	s7 =	simm.s32 @!p0 $0x108  }
0x21: {  	s3 =	sadd.s32 s3, s9;
	s6 =	sadd.s32 @!p0 $0x88, s6;
	s7 =	simm.s32 @p2 $0x1082  }
0x22: {  	[simem:s7], [sflag:s8] =	dma.local @!p0 [hbm:s6], $0xF7A  }
0x23: {  	s9 =	sor.u32 $0xD0000000, s2;
	s6 =	simm.s32 $0x108;
	_ =	swait.ge @!p0 [sflag:s8], $0x0  }
0x24: {  	s3 =	sadd.s32 $0x88, s3;
	s6 =	simm.s32 @!p1 $0x1082;
	[sflag:s4] =	ssyncset.s32 $0xFFFFF086  }
0x25: {  	[simem:s6], [sflag:s4] =	dma.local [hbm:s3], $0xF7A  }
0x26: {  	[smem:$0x3F91] =	sst s1;
	(tag) =	ssettag s2;
	_ =	strace s9  }
0x27: {  	s1 =	sld [smem:$0x3FA1]  }
0x28: {  	s2 =	sld [smem:$0x3FA2]  }
0x29: {  	s4 =	sld [smem:$0x3FA4]  }
0x2a: {  	p0 =	seq.s32 s5, $0x0;
	s5 =	sld [smem:$0x3FA5]  }
0x2b: {  	s6 =	sld [smem:$0x3FA6]  }
0x2c: {  	s7 =	sld [smem:$0x3FA7]  }
0x2d: {  	s3 =	simm.s32 $0x108;
	s8 =	sld [smem:$0x3FA8]  }
0x2e: {  	s3 =	simm.s32 @!p0 $0x1082;
	s9 =	sld [smem:$0x3FA9]  }
0x2f: {  	lr =	sadd.s32 s0, s3;
	s0 =	sld [smem:$0x3FA0]  }
0x30: {  	s3 =	sld [smem:$0x3FA3]  }
0x31: {  	[smem:$0x3FAC] =	sst s10  }
0x32: {  	s10 =	sld [smem:$0x3FAA];
	_ =	sdelay $0x3  }
0x33: {  	p0 =	seq.s32 s10, $0x1;
	s10 =	sld [smem:$0x3FAC];
	_ =	sdelay $0x3  }
0x34: {  	[smem:$0x3FAC] =	sst s10  }
0x35: {  	s10 =	sld [smem:$0x3FAB];
	_ =	sdelay $0x3  }
0x36: {  	p1 =	seq.s32 s10, $0x1;
	s10 =	sld [smem:$0x3FAC];
	_ =	sdelay $0x3  }
0x37: {  	[smem:$0x3FAC] =	sst s10  }
0x38: {  	s10 =	sld [smem:$0x3FAD]  }
0x39: {  	_ = 	snop;
	(pc) =	sbr.ind lr, $3  }
0x3a: {  	_ = 	snop  }
0x3b: {  	_ = 	snop  }
0x3c: {  	p2 =	seq.s32 s10, $0x1;
	s10 =	sld [smem:$0x3FAC]  }
0x3d: {  	_ =	shalt  }
0x3e: {  	_ =	shalt  }
0x3f: {  	_ =	shalt  }
0x40: {  	_ =	shalt  }
0x41: {  	_ =	shalt  }
0x42: {  	_ =	shalt  }
0x43: {  	_ =	shalt  }
0x44: {  	_ =	shalt  }
0x45: {  	_ =	shalt  }
0x46: {  	_ =	shalt  }
0x47: {  	_ =	shalt  }
0x48: {  	_ =	shalt  }
0x49: {  	_ =	shalt  }
0x4a: {  	_ =	shalt  }
0x4b: {  	_ =	shalt  }
0x4c: {  	_ =	shalt  }
0x4d: {  	_ =	shalt  }
0x4e: {  	_ =	shalt  }
0x4f: {  	_ =	shalt  }
0x50: {  	_ =	shalt  }
0x51: {  	_ =	shalt  }
0x52: {  	_ =	shalt  }
0x53: {  	_ =	shalt  }
0x54: {  	_ =	shalt  }
0x55: {  	_ =	shalt  }
0x56: {  	_ =	shalt  }
0x57: {  	_ =	shalt  }
0x58: {  	_ =	shalt  }
0x59: {  	_ =	shalt  }
0x5a: {  	_ =	shalt  }
0x5b: {  	_ =	shalt  }
0x5c: {  	_ =	shalt  }
0x5d: {  	_ =	shalt  }
0x5e: {  	_ =	shalt  }
0x5f: {  	_ =	shalt  }
0x60: {  	_ =	shalt  }
0x61: {  	_ =	shalt  }
0x62: {  	_ =	shalt  }
0x63: {  	_ =	shalt  }
0x64: {  	_ =	shalt  }
0x65: {  	_ =	shalt  }
0x66: {  	_ =	shalt  }
0x67: {  	_ =	shalt  }
0x68: {  	_ =	shalt  }
0x69: {  	_ =	shalt  }
0x6a: {  	_ =	shalt  }
0x6b: {  	_ =	shalt  }
0x6c: {  	_ =	shalt  }
0x6d: {  	_ =	shalt  }
0x6e: {  	_ =	shalt  }
0x6f: {  	_ =	shalt  }
0x70: {  	_ =	shalt  }
0x71: {  	_ =	shalt  }
0x72: {  	_ =	shalt  }
0x73: {  	_ =	shalt  }
0x74: {  	_ =	shalt  }
0x75: {  	_ =	shalt  }
0x76: {  	_ =	shalt  }
0x77: {  	_ =	shalt  }
0x78: {  	_ =	shalt  }
0x79: {  	_ =	shalt  }
0x7a: {  	_ =	shalt  }
0x7b: {  	_ =	shalt  }
0x7c: {  	_ =	shalt  }
0x7d: {  	_ =	shalt  }
0x7e: {  	_ =	shalt  }
0x7f: {  	_ =	shalt  }
0x80: {  	_ =	shalt  }
0x81: {  	_ =	shalt  }
0x82: {  	_ =	shalt  }
0x83: {  	_ =	shalt  }
0x84: {  	_ =	shalt  }
0x85: {  	_ =	shalt  }
0x86: {  	_ =	shalt  }
0x87: {  	_ =	shalt  }
.Lfunc_end0:
.L_simem_size_0:
called_computation.2_lowered:
.L_overlay_start_0:
0x88: {  	s2 =	sld [smem:$0x3FD9]  }
0x89: {  	s3 =	sld [smem:$0x3FFE];
	_ =	sdelay $0x1  }
0x8a: {  	s1 =	srdreg.scid  }
0x8b: {  	s0 =	sand.u32 $0x1, s1  }
0x8c: {  	s17 =	sshll.u32 s0, $0xA;
	s2 =	sadd.s32 s3, s2  }
0x8d: {  	s2 =	sadd.s32 s2, s17  }
0x8e: {  	[smem:$0x3FB8] =	sst s2  }
0x8f: {  	_ = 	snop  }
0x90: {  	(tm) =	ssettm $0x1  }
0x91: {  	s18 =	sld [smem:$0x3FFB];
	_ =	sdelay $0x3  }
0x92: {  	_ =	strace s18  }
0x93: {  	s2 =	sld [smem:$0x3FFC];
	_ =	sdelay $0x3  }
0x94: {  	_ =	strace s2  }
0x95: {  	s2 =	sld [smem:$0x3FFD];
	_ =	sdelay $0x3  }
0x96: {  	_ =	strace s2  }
0x97: {  	_ =	strace $0x8FFFFFFF  }
0x98: {  	s19 =	sld [smem:$0x3FDB];
	_ =	sdelay $0x1  }
0x99: {  	s20 =	simm.s32 $_scs_section_size  }
0x9a: {  	s4 =	simm.s32 $_size__tile_overlayer_lowered;
	s5 =	simm.s32 $_tile_overlayer_lowered  }
0x9b: {  	s6 =	simm.s32 $0x1BFF;
	s21 =	sshll.u32 s5, $0x1;
	s3 =	sadd.s32 s20, s19  }
0x9c: {  	s22 =	simm.s32 $0x0;
	s4 =	sshll.u32 s4, $0x1;
	s5 =	sadd.s32 s21, s3  }
0x9d: {  	[timem:s22], [sflag:s6] =	dma.local [hbm:s5], s4  }
0x9e: {  	_ =	swait.ge [sflag:s6], s4  }
0x9f: {  	s4 =	ssub.s32 $0x0, s4;
	[sflag:s6] =	ssyncset.done $0x0  }
0xa0: {  	[sflag:s6] =	ssyncadd.s32 s4;
	_ =	sdelay $0x1  }
0xa1: {  	s23 =	simm.s32 $0x1B8B  }
0xa2: {  	_ =	swait.ge [sflag:s23], $0x1  }
0xa3: {  	[sflag:s23] =	ssyncset.done $0x0  }
0xa4: {  	[sflag:s23] =	ssyncadd.s32 $0xFFFFFFFF  }
0xa5: {  	s4 =	sld [smem:$0x0]  }
0xa6: {  	s5 =	sand.u32 $0xFFFFFFFE, s1  }
0xa7: {  	p0 =	sne.s32 s1, s5  }
0xa8: {  	s5 =	sshll.u32 @p0 s5, $0xE  }
0xa9: {  	s5 =	sadd.s32 @p0 $0x11B8D, s5;
	s6 =	sshll.u32 @p0 s4, $0x11  }
0xaa: {  	s5 =	sor.u32 @p0 s6, s5  }
0xab: {  	[sflag:s5] =	ssyncadd.remote.s32 @p0 $0x1;
	_ =	sdelay $0x1  }
0xac: {  	s5 =	simm.s32 @p0 $0x1B8D  }
0xad: {  	_ =	swait.eq @p0 [sflag:s5], $0x1  }
0xae: {  	[sflag:s5] =	ssyncadd.s32 @p0 $0xFFFFFFFF  }
0xaf: {  	s6 =	sshll.u32 @!p0 s1, $0xE  }
0xb0: {  	s6 =	sor.u32 @!p0 $0x4000, s6;
	s5 =	simm.s32 @!p0 $0x1B8D  }
0xb1: {  	s4 =	sshll.u32 @!p0 s4, $0x11;
	s6 =	sadd.s32 @!p0 $0x11B8D, s6;
	_ =	swait.eq @!p0 [sflag:s5], $0x1  }
0xb2: {  	s4 =	sor.u32 @!p0 s4, s6;
	[sflag:s5] =	ssyncadd.s32 @!p0 $0xFFFFFFFF  }
0xb3: {  	s25 =	simm.s32 $0x1B8E;
	s24 =	sld [smem:$0x3FFE];
	[sflag:s4] =	ssyncadd.remote.s32 @!p0 $0x1  }
0xb4: {  	s26 =	simm.s32 $execute0_lowered;
	[smem:$0x3FD2] =	sst s25  }
0xb5: {  	s5 =	sshll.u32 s26, $0x1;
	_ =	strace $0x8000004C;
	[dreg:$0x1] =	wrdreg $0xFFFFFFFF  }
0xb6: {  	s28 =	simm.s32 $_size_execute0_lowered;
	s3 =	sadd.s32 s3, s5;
	[dreg:$0x0] =	wrdreg $0x0  }
0xb7: {  	s5 =	sshll.u32 s28, $0x1;
	[dreg:$0x2] =	wrdreg s3  }
0xb8: {  	[dreg:$0x3] =	wrdreg s5  }
0xb9: {  	[dreg:$0x4] =	wrdreg $0xC0  }
0xba: {  	_ =	task [dreg:s22], $0x5FFFF  }
0xbb: {  	[dreg:$0x1] =	wrdreg $0xFFFFFFFF  }
0xbc: {  	[dreg:$0x0] =	wrdreg $0x60  }
0xbd: {  	[dreg:$0x2] =	wrdreg s24  }
0xbe: {  	[dreg:$0x3] =	wrdreg $0xB  }
0xbf: {  	_ =	task.clear_ibuf [dreg:s22], $0x4FFFF;
	_ =	strace $0x9000004C  }
0xc0: {  	s29 =	simm.s32 $0xB;
	_ =	strace $0x8000004E  }
0xc1: {  	_ =	swait.ge [sflag:s29], $0x1  }
0xc2: {  	[sflag:s29] =	ssyncadd.s32 $0xFFFFFFFF  }
0xc3: {  	_ =	strace $0x9000004E  }
0xc4: {  	_ =	sfence  }
0xc5: {  	s30 =	sld [smem:$0x0];
	_ =	sdelay $0x2  }
0xc6: {  	s31 =	sshll.u32 s1, $0xD;
	s1 =	sshrl.u32 s1, $0x2  }
0xc7: {  	s4 =	sand.u32 $0x4000, s31;
	s1 =	sadd.s32 s1, s30  }
0xc8: {  	s0 =	sor.u32 s4, s0;
	s1 =	sshll.u32 s1, $0x11  }
0xc9: {  	s0 =	sor.u32 s1, s0  }
0xca: {  	s0 =	sadd.s32 $0x8F2B, s0  }
0xcb: {  	[sflag:s0] =	ssyncadd.remote.s32 $0x1  }
0xcc: {  	_ =	sfence.sel $0xFFFF  }
0xcd: {  	[dreg:$0x0] =	wrdreg $0xFFFFFFFF;
	(pc) =	sbr.abs _section_cstart, $3  }
0xce: {  	[dreg:$0x1] =	wrdreg $0xFFFFFFFF  }
0xcf: {  	_ =	task.clear_ibuf [dreg:s22], $0x2FFFF;
	_ =	strace $0x9FFFFFFF  }
0xd0: {  	(tm) =	ssettm $0x7FFFFFFF  }
0xd1: {  	_ =	shalt  }
tec
execute0_lowered:
.L_overlay_start_1:
0x0: {  	(tag) =	ssettag $0x1  }
0x1: {  	s1 =	srdreg.scid;
	s0 =	stileid.u32  }
0x2: {  	s14 =	sand.u32 $0x1, s1;
	s30 =	sshll.u32 s0, $0x1  }
0x3: {  	s15 =	rddreg [dreg:$0x0];
	s16 =	sor.u32 s14, s30  }
0x4: {  	s2 =	simm.s32 $0x0;
	s1 =	rddreg [dreg:$0x1];
	s3 =	sshll.u32 s16, $0x6  }
0x5: {  	[smem:$0x7FF] =	sst s2;
	s3 =	sadd.s32 s3, s15  }
0x6: {  	_ =	strace $0x8000004D;
	s4 =	sadd.s32 $0x8600, s3;
	s3 =	simm.s32 $0x2  }
0x7: {  	[tilespmem:s2], [sflag:$0x2] =	stream.linear.gather [hbm4b:s4+s2], $0x200, $0x38;
	[tilespmem:$0x8200] =	vst v63  }
0x8: {  	_ =	swait.ge [sflag:s3], $0x200  }
0x9: {  	s6 =	simm.s32 $0x80;
	[sflag:s3] =	ssyncset.done $0x0  }
0xa: {  	s7 =	simm.s32 $0x200;
	s5 =	sadd.s32 $0x61600, s15;
	[sflag:s3] =	ssyncadd.s32 $0xFFFFFE00  }
0xb: {  	[tilespmem:s7], [sflag:$0x1] =	stream.indirect.gather [hbm4b:s5+s6], $0x40, s2, s6, $0xb8;
	[tilespmem:$0x8200] =	vst v63  }
0xc: {  	s8 =	simm.s32 $0x2200  }
0xd: {  	[tilespmem:s8], [sflag:$0x1] =	stream.indirect.gather [hbm4b:s5+s6], $0x40, s6, s6, $0xb8;
	[tilespmem:$0x8200] =	vst v63  }
0xe: {  	s9 =	simm.s32 $0x100;
	s10 =	simm.s32 $0x4200  }
0xf: {  	[tilespmem:s10], [sflag:$0x1] =	stream.indirect.gather [hbm4b:s5+s6], $0x40, s9, s6, $0xb8;
	[tilespmem:$0x8200] =	vst v63  }
0x10: {  	s11 =	simm.s32 $0x180;
	s12 =	simm.s32 $0x6200;
	s13 =	simm.s32 $0x1  }
0x11: {  	[tilespmem:s12], [sflag:$0x1] =	stream.indirect.gather [hbm4b:s5+s6], $0x40, s11, s6, $0xb8;
	[tilespmem:$0x8200] =	vst v63  }
0x12: {  	_ =	swait.ge [sflag:s13], $0x2000  }
0x13: {  	[sflag:s13] =	ssyncset.done $0x0  }
0x14: {  	[sflag:s13] =	ssyncadd.s32 $0xFFFFE000  }
0x15: {  	_ =	swait.ge [sflag:s13], $0x2000  }
0x16: {  	[sflag:s13] =	ssyncset.done $0x0  }
0x17: {  	s14 =	ssub.s32 $0x2, s14;
	[sflag:s13] =	ssyncadd.s32 $0xFFFFE000  }
0x18: {  	s16 =	sshll.u32 s16, $0xD;
	s31 =	sshrl.u32 s14, $0x1;
	_ =	swait.ge [sflag:s13], $0x2000  }
0x19: {  	s15 =	sadd.s32 s16, s15;
	s16 =	ssub.s32 s14, s31;
	[sflag:s13] =	ssyncset.done $0x0  }
0x1a: {  	s16 =	smax.u32 s16, $0x1;
	[sflag:s13] =	ssyncadd.s32 $0xFFFFE000  }
0x1b: {  	p0 =	sne.s32 s16, $0x1;
	_ =	swait.ge [sflag:s13], $0x2000  }
.Ltmp0:
0x1c: {  	[sflag:s13] =	ssyncset.done $0x0;
	(pc) =	sbr.rel @!p0 .LBB2_2-.Ltmp0, $4  }
0x1d: {  	s14 =	sadd.s32 $0x124C08, s15;
	s15 =	simm.s32 $0x40;
	[sflag:s13] =	ssyncadd.s32 $0xFFFFE000  }
0x1e: {  	[hbm4b:s14+s15] =	stream.strided.scatter [tilespmem:s7], [sflag:$0x2], $0x8000, s6, s15, $0x38;
	[tilespmem:$0x8200] =	vst v63  }
0x1f: {  	_ =	swait.ge [sflag:s3], $0x8000  }
0x20: {  	s16 =	sadd.s32 $0xFFFFFFFF, s16;
	[sflag:s3] =	ssyncset.done $0x0  }
.LBB2_1:
0x21: {  	p0 =	sne.s32 s16, $0x1;
	s16 =	sadd.s32 $0xFFFFFFFF, s16;
	[sflag:s3] =	ssyncadd.s32 $0xFFFF8000  }
0x22: {  	[tilespmem:s2], [sflag:$0x2] =	stream.linear.gather [hbm4b:s4+s2], $0x200, $0x38;
	[tilespmem:$0x8200] =	vst v63  }
0x23: {  	_ =	swait.ge [sflag:s3], $0x200  }
0x24: {  	[sflag:s3] =	ssyncset.done $0x0  }
0x25: {  	[sflag:s3] =	ssyncadd.s32 $0xFFFFFE00  }
0x26: {  	[tilespmem:s7], [sflag:$0x1] =	stream.indirect.gather [hbm4b:s5+s6], $0x40, s2, s6, $0xb8;
	[tilespmem:$0x8200] =	vst v63  }
0x27: {  	_ = 	snop  }
0x28: {  	[tilespmem:s8], [sflag:$0x1] =	stream.indirect.gather [hbm4b:s5+s6], $0x40, s6, s6, $0xb8;
	[tilespmem:$0x8200] =	vst v63  }
0x29: {  	_ = 	snop  }
0x2a: {  	[tilespmem:s10], [sflag:$0x1] =	stream.indirect.gather [hbm4b:s5+s6], $0x40, s9, s6, $0xb8;
	[tilespmem:$0x8200] =	vst v63  }
0x2b: {  	_ = 	snop  }
0x2c: {  	[tilespmem:s12], [sflag:$0x1] =	stream.indirect.gather [hbm4b:s5+s6], $0x40, s11, s6, $0xb8;
	[tilespmem:$0x8200] =	vst v63  }
0x2d: {  	_ =	swait.ge [sflag:s13], $0x2000  }
0x2e: {  	[sflag:s13] =	ssyncset.done $0x0  }
0x2f: {  	[sflag:s13] =	ssyncadd.s32 $0xFFFFE000  }
0x30: {  	_ =	swait.ge [sflag:s13], $0x2000  }
0x31: {  	[sflag:s13] =	ssyncset.done $0x0  }
0x32: {  	[sflag:s13] =	ssyncadd.s32 $0xFFFFE000  }
0x33: {  	_ =	swait.ge [sflag:s13], $0x2000  }
0x34: {  	[sflag:s13] =	ssyncset.done $0x0  }
0x35: {  	[sflag:s13] =	ssyncadd.s32 $0xFFFFE000  }
0x36: {  	_ =	swait.ge [sflag:s13], $0x2000  }
.Ltmp1:
0x37: {  	[sflag:s13] =	ssyncset.done $0x0;
	(pc) =	sbr.rel @p0 .LBB2_1-.Ltmp1, $4  }
0x38: {  	[sflag:s13] =	ssyncadd.s32 $0xFFFFE000  }
0x39: {  	[hbm4b:s14+s15] =	stream.strided.scatter [tilespmem:s7], [sflag:$0x2], $0x8000, s6, s15, $0x38;
	[tilespmem:$0x8200] =	vst v63  }
0x3a: {  	_ =	swait.ge [sflag:s3], $0x8000  }
0x3b: {  	[sflag:s3] =	ssyncset.done $0x0  }
.LBB2_2:
0x3c: {  	[sflag:s3] =	ssyncadd.s32 $0xFFFF8000  }
0x3d: {  	_ =	sfence.sel $0x180000  }
0x3e: {  	[bflag:$0x0] =	sbarrier.arrive $0xFFFF  }
0x3f: {  	p0 =	sne.s32 s0, $0x0;
	_ =	strace $0x9000004D  }
0x40: {  	s0 =	sadd.s32 @!p0 $0x100000, s1;
	[bflag:$0x2] =	sbarrier.arrive $0xFFFF  }
0x41: {  	[sflag:s0] =	ssyncadd.tile.s32 @!p0 $0x1;
	_ =	shalt  }
.Lfunc_end2:
_tile_overlayer_lowered:
.L_overlay_start_2:
0x42: {  	(tag) =	ssettag $0x2  }
0x43: {  	s0 =	rddreg [dreg:$0x0];
	s2 =	stileid.u32  }
0x44: {  	s1 =	rddreg [dreg:$0x1];
	p0 =	sne.s32 s2, $0x0  }
0x45: {  	s3 =	rddreg [dreg:$0x2];
	[bflag:$0x3] =	sbarrier.arrive $0xFFFF;
	s2 =	simm.s32 @!p0 $0x1C02  }
0x46: {  	[timem:s3], [sflag:s2] =	dma.local @!p0 [hbm:s0], s1  }
0x47: {  	s0 =	simm.s32 @!p0 $0x2  }
0x48: {  	_ =	swait.ge @!p0 [sflag:s0], s1  }
0x49: {  	s1 =	ssub.s32 @!p0 $0x0, s1;
	[sflag:s0] =	ssyncset.done @!p0 $0x0  }
0x4a: {  	[sflag:s0] =	ssyncadd.s32 @!p0 s1  }
0x4b: {  	[bflag:$0x3] =	sbarrier.arrive $0xFFFF  }
0x4c: {  	_ =	shalt  }

// kernel: kernel.7.cloned.1.call-start
scs
__scs_entry_jumppad:
0x0: {  	(pc) =	sbr.rel $0x88, $3  }
0x1: {  	(tag) =	ssettag $0x0;
	lr =	simm.s32 $0x1  }
0x2: {  	[smem:$0x3F91] =	sst lr;
	_ =	strace $0xD0000000  }
0x3: {  	_ = 	snop  }
0x4: {  	_ = 	snop  }
0x5: {  	_ = 	snop  }
0x6: {  	_ = 	snop  }
0x7: {  	_ = 	snop  }
__scs_overlays_trampoline_lowered:
0x8: {  	[smem:$0x3FA0] =	sst s0  }
0x9: {  	[smem:$0x3FA1] =	sst s1  }
0xa: {  	[smem:$0x3FA2] =	sst s2  }
0xb: {  	[smem:$0x3FA3] =	sst s3  }
0xc: {  	[smem:$0x3FA4] =	sst s4  }
0xd: {  	[smem:$0x3FA5] =	sst s5  }
0xe: {  	[smem:$0x3FA6] =	sst s6  }
0xf: {  	[smem:$0x3FA7] =	sst s7  }
0x10: {  	[smem:$0x3FA8] =	sst s8  }
0x11: {  	[smem:$0x3FA9] =	sst s9;
	s0 =	simm.s32 @!p0 $0x0  }
0x12: {  	s1 =	sld [smem:$0x3F8F];
	s0 =	simm.s32 @p0 $0x1  }
0x13: {  	[smem:$0x3FAA] =	sst s0;
	s0 =	simm.s32 @!p1 $0x0  }
0x14: {  	s2 =	sld [smem:$0x3F8E];
	s0 =	simm.s32 @p1 $0x1  }
0x15: {  	[smem:$0x3FAB] =	sst s0;
	s0 =	simm.s32 @!p2 $0x0  }
0x16: {  	s3 =	sld [smem:$0x3FDB];
	s0 =	simm.s32 @p2 $0x1  }
0x17: {  	s4 =	simm.s32 $0x1BF5;
	[smem:$0x3FAD] =	sst s0  }
0x18: {  	s0 =	sld [smem:$0x3F90];
	_ =	swait.ge [sflag:s4], $0x0  }
0x19: {  	s7 =	sld [smem:$0x3F91]  }
0x1a: {  	s8 =	sadd.s32 $0xFFFFE003, lr  }
0x1b: {  	s9 =	sadd.s32 $0xFFFFFEF7, lr;
	s5 =	simm.s32 $0xFFFFFFFF;
	p2 =	slt.u32 s8, $0xFFFFF086  }
0x1c: {  	p1 =	slt.u32 s9, $0xF7A;
	s5 =	simm.s32 @!p2 $0x0  }
0x1d: {  	s5 =	simm.s32 @p1 $0x1;
	p0 =	seq.s32 s7, s2  }
0x1e: {  	s7 =	smul.u32 @!p0 $0xF7A, s2;
	p2 =	seq.s32 @!p0 s5, $0x0  }
0x1f: {  	s9 =	smul.u32 $0xF7A, s1;
	s8 =	simm.s32 @!p0 $0x1BF5;
	p2 =	por !p2, p0  }
0x20: {  	[sflag:s8] =	ssyncset.s32 @!p0 $0xFFFFF086;
	s6 =	sadd.s32 @!p0 s3, s7;
	s7 =	simm.s32 @!p0 $0x108  }
0x21: {  	s3 =	sadd.s32 s3, s9;
	s6 =	sadd.s32 @!p0 $0x88, s6;
	s7 =	simm.s32 @p2 $0x1082  }
0x22: {  	[simem:s7], [sflag:s8] =	dma.local @!p0 [hbm:s6], $0xF7A  }
0x23: {  	s9 =	sor.u32 $0xD0000000, s2;
	s6 =	simm.s32 $0x108;
	_ =	swait.ge @!p0 [sflag:s8], $0x0  }
0x24: {  	s3 =	sadd.s32 $0x88, s3;
	s6 =	simm.s32 @!p1 $0x1082;
	[sflag:s4] =	ssyncset.s32 $0xFFFFF086  }
0x25: {  	[simem:s6], [sflag:s4] =	dma.local [hbm:s3], $0xF7A  }
0x26: {  	[smem:$0x3F91] =	sst s1;
	(tag) =	ssettag s2;
	_ =	strace s9  }
0x27: {  	s1 =	sld [smem:$0x3FA1]  }
0x28: {  	s2 =	sld [smem:$0x3FA2]  }
0x29: {  	s4 =	sld [smem:$0x3FA4]  }
0x2a: {  	p0 =	seq.s32 s5, $0x0;
	s5 =	sld [smem:$0x3FA5]  }
0x2b: {  	s6 =	sld [smem:$0x3FA6]  }
0x2c: {  	s7 =	sld [smem:$0x3FA7]  }
0x2d: {  	s3 =	simm.s32 $0x108;
	s8 =	sld [smem:$0x3FA8]  }
0x2e: {  	s3 =	simm.s32 @!p0 $0x1082;
	s9 =	sld [smem:$0x3FA9]  }
0x2f: {  	lr =	sadd.s32 s0, s3;
	s0 =	sld [smem:$0x3FA0]  }
0x30: {  	s3 =	sld [smem:$0x3FA3]  }
0x31: {  	[smem:$0x3FAC] =	sst s10  }
0x32: {  	s10 =	sld [smem:$0x3FAA];
	_ =	sdelay $0x3  }
0x33: {  	p0 =	seq.s32 s10, $0x1;
	s10 =	sld [smem:$0x3FAC];
	_ =	sdelay $0x3  }
0x34: {  	[smem:$0x3FAC] =	sst s10  }
0x35: {  	s10 =	sld [smem:$0x3FAB];
	_ =	sdelay $0x3  }
0x36: {  	p1 =	seq.s32 s10, $0x1;
	s10 =	sld [smem:$0x3FAC];
	_ =	sdelay $0x3  }
0x37: {  	[smem:$0x3FAC] =	sst s10  }
0x38: {  	s10 =	sld [smem:$0x3FAD]  }
0x39: {  	_ = 	snop;
	(pc) =	sbr.ind lr, $3  }
0x3a: {  	_ = 	snop  }
0x3b: {  	_ = 	snop  }
0x3c: {  	p2 =	seq.s32 s10, $0x1;
	s10 =	sld [smem:$0x3FAC]  }
0x3d: {  	_ =	shalt  }
0x3e: {  	_ =	shalt  }
0x3f: {  	_ =	shalt  }
0x40: {  	_ =	shalt  }
0x41: {  	_ =	shalt  }
0x42: {  	_ =	shalt  }
0x43: {  	_ =	shalt  }
0x44: {  	_ =	shalt  }
0x45: {  	_ =	shalt  }
0x46: {  	_ =	shalt  }
0x47: {  	_ =	shalt  }
0x48: {  	_ =	shalt  }
0x49: {  	_ =	shalt  }
0x4a: {  	_ =	shalt  }
0x4b: {  	_ =	shalt  }
0x4c: {  	_ =	shalt  }
0x4d: {  	_ =	shalt  }
0x4e: {  	_ =	shalt  }
0x4f: {  	_ =	shalt  }
0x50: {  	_ =	shalt  }
0x51: {  	_ =	shalt  }
0x52: {  	_ =	shalt  }
0x53: {  	_ =	shalt  }
0x54: {  	_ =	shalt  }
0x55: {  	_ =	shalt  }
0x56: {  	_ =	shalt  }
0x57: {  	_ =	shalt  }
0x58: {  	_ =	shalt  }
0x59: {  	_ =	shalt  }
0x5a: {  	_ =	shalt  }
0x5b: {  	_ =	shalt  }
0x5c: {  	_ =	shalt  }
0x5d: {  	_ =	shalt  }
0x5e: {  	_ =	shalt  }
0x5f: {  	_ =	shalt  }
0x60: {  	_ =	shalt  }
0x61: {  	_ =	shalt  }
0x62: {  	_ =	shalt  }
0x63: {  	_ =	shalt  }
0x64: {  	_ =	shalt  }
0x65: {  	_ =	shalt  }
0x66: {  	_ =	shalt  }
0x67: {  	_ =	shalt  }
0x68: {  	_ =	shalt  }
0x69: {  	_ =	shalt  }
0x6a: {  	_ =	shalt  }
0x6b: {  	_ =	shalt  }
0x6c: {  	_ =	shalt  }
0x6d: {  	_ =	shalt  }
0x6e: {  	_ =	shalt  }
0x6f: {  	_ =	shalt  }
0x70: {  	_ =	shalt  }
0x71: {  	_ =	shalt  }
0x72: {  	_ =	shalt  }
0x73: {  	_ =	shalt  }
0x74: {  	_ =	shalt  }
0x75: {  	_ =	shalt  }
0x76: {  	_ =	shalt  }
0x77: {  	_ =	shalt  }
0x78: {  	_ =	shalt  }
0x79: {  	_ =	shalt  }
0x7a: {  	_ =	shalt  }
0x7b: {  	_ =	shalt  }
0x7c: {  	_ =	shalt  }
0x7d: {  	_ =	shalt  }
0x7e: {  	_ =	shalt  }
0x7f: {  	_ =	shalt  }
0x80: {  	_ =	shalt  }
0x81: {  	_ =	shalt  }
0x82: {  	_ =	shalt  }
0x83: {  	_ =	shalt  }
0x84: {  	_ =	shalt  }
0x85: {  	_ =	shalt  }
0x86: {  	_ =	shalt  }
0x87: {  	_ =	shalt  }
.Lfunc_end0:
.L_simem_size_0:
called_computation_lowered:
.L_overlay_start_0:
0x88: {  	s2 =	sld [smem:$0x3FD9]  }
0x89: {  	s3 =	sld [smem:$0x3FFE];
	_ =	sdelay $0x1  }
0x8a: {  	s1 =	srdreg.scid  }
0x8b: {  	s0 =	sand.u32 $0x1, s1  }
0x8c: {  	s17 =	sshll.u32 s0, $0xA;
	s2 =	sadd.s32 s3, s2  }
0x8d: {  	s2 =	sadd.s32 s2, s17  }
0x8e: {  	[smem:$0x3FB8] =	sst s2  }
0x8f: {  	_ = 	snop  }
0x90: {  	s2 =	sld [smem:$0x3FD0];
	(tm) =	ssettm $0x1  }
0x91: {  	s18 =	sld [smem:$0x3FFB];
	_ =	sdelay $0x3  }
0x92: {  	_ =	strace s18  }
0x93: {  	s3 =	sld [smem:$0x3FFC];
	_ =	sdelay $0x3  }
0x94: {  	_ =	strace s3  }
0x95: {  	s3 =	sld [smem:$0x3FFD];
	_ =	sdelay $0x3  }
0x96: {  	_ =	strace s3  }
0x97: {  	_ =	strace $0x8FFFFFFF  }
0x98: {  	s19 =	sld [smem:$0x3FDB];
	_ =	sdelay $0x1  }
0x99: {  	s4 =	simm.s32 $_scs_section_size  }
0x9a: {  	s5 =	simm.s32 $_size__tile_overlayer_lowered;
	s6 =	simm.s32 $_tile_overlayer_lowered  }
0x9b: {  	s22 =	simm.s32 $0x1BFF;
	s21 =	sshll.u32 s6, $0x1;
	s3 =	sadd.s32 s4, s19  }
0x9c: {  	s7 =	simm.s32 $0x0;
	s20 =	sshll.u32 s5, $0x1;
	s5 =	sadd.s32 s21, s3  }
0x9d: {  	[timem:s7], [sflag:s22] =	dma.local [hbm:s5], s20  }
0x9e: {  	_ =	swait.ge [sflag:s22], s20  }
0x9f: {  	s4 =	ssub.s32 $0x0, s20;
	[sflag:s22] =	ssyncset.done $0x0  }
0xa0: {  	[sflag:s22] =	ssyncadd.s32 s4;
	_ =	sdelay $0x1  }
0xa1: {  	s23 =	simm.s32 $0x1B8B  }
0xa2: {  	_ =	swait.ge [sflag:s23], $0x1  }
0xa3: {  	[sflag:s23] =	ssyncset.done $0x0  }
0xa4: {  	s25 =	simm.s32 $0x1B8E;
	s24 =	sld [smem:$0x3FFE];
	[sflag:s23] =	ssyncadd.s32 $0xFFFFFFFF  }
0xa5: {  	s26 =	simm.s32 $execute0_lowered;
	[smem:$0x3FD2] =	sst s25  }
0xa6: {  	s5 =	sshll.u32 s26, $0x1;
	_ =	strace $0x80000046;
	[dreg:$0x1] =	wrdreg $0xFFFFFFFF  }
0xa7: {  	s28 =	simm.s32 $_size_execute0_lowered;
	s3 =	sadd.s32 s3, s5;
	[dreg:$0x0] =	wrdreg $0x0  }
0xa8: {  	s5 =	sshll.u32 s28, $0x1;
	[dreg:$0x2] =	wrdreg s3  }
0xa9: {  	[dreg:$0x3] =	wrdreg s5  }
0xaa: {  	[dreg:$0x4] =	wrdreg $0xC0  }
0xab: {  	_ =	task [dreg:s7], $0x5FFFF  }
0xac: {  	[dreg:$0x1] =	wrdreg $0xFFFFFFFF  }
0xad: {  	[dreg:$0x0] =	wrdreg $0x60  }
0xae: {  	[dreg:$0x2] =	wrdreg s24  }
0xaf: {  	[dreg:$0x3] =	wrdreg s2  }
0xb0: {  	[dreg:$0x4] =	wrdreg $0x9  }
0xb1: {  	_ =	task.clear_ibuf [dreg:s7], $0x5FFFF;
	_ =	strace $0x90000046  }
0xb2: {  	s29 =	simm.s32 $0x9;
	_ =	strace $0x80000048  }
0xb3: {  	_ =	swait.ge [sflag:s29], $0x1  }
0xb4: {  	[sflag:s29] =	ssyncadd.s32 $0xFFFFFFFF  }
0xb5: {  	_ =	strace $0x90000048  }
0xb6: {  	_ =	sfence  }
0xb7: {  	s30 =	sld [smem:$0x0];
	_ =	sdelay $0x2  }
0xb8: {  	s31 =	sshll.u32 s1, $0xD;
	s1 =	sshrl.u32 s1, $0x2  }
0xb9: {  	s3 =	sand.u32 $0x4000, s31;
	s1 =	sadd.s32 s1, s30  }
0xba: {  	s0 =	sor.u32 s3, s0;
	s1 =	sshll.u32 s1, $0x11  }
0xbb: {  	s0 =	sor.u32 s1, s0  }
0xbc: {  	s0 =	sadd.s32 $0x8F2B, s0  }
0xbd: {  	[sflag:s0] =	ssyncadd.remote.s32 $0x1  }
0xbe: {  	_ =	sfence.sel $0xFFFF  }
0xbf: {  	[dreg:$0x0] =	wrdreg $0xFFFFFFFF;
	(pc) =	sbr.abs _section_cstart, $3  }
0xc0: {  	[dreg:$0x1] =	wrdreg $0xFFFFFFFF  }
0xc1: {  	_ =	task.clear_ibuf [dreg:s7], $0x2FFFF;
	_ =	strace $0x9FFFFFFF  }
0xc2: {  	(tm) =	ssettm $0x7FFFFFFF  }
0xc3: {  	_ =	shalt  }
tec
execute0_lowered:
.L_overlay_start_1:
0x0: {  	(tag) =	ssettag $0x1  }
0x1: {  	s1 =	srdreg.scid  }
0x2: {  	s18 =	rddreg [dreg:$0x0];
	s0 =	stileid.u32;
	s21 =	sand.u32 $0x1, s1  }
0x3: {  	s14 =	rddreg [dreg:$0x1];
	s3 =	sshll.u32 s0, $0x7;
	s4 =	sshll.u32 s21, $0x6  }
0x4: {  	s2 =	simm.s32 $0x0;
	s1 =	rddreg [dreg:$0x2];
	s15 =	sor.u32 s4, s3  }
0x5: {  	[smem:$0x7FF] =	sst s2;
	s20 =	sadd.s32 s15, s18  }
0x6: {  	_ =	strace $0x80000047;
	s3 =	simm.s32 $0x2;
	s4 =	sadd.s32 $0x6600, s20  }
0x7: {  	[tilespmem:s2], [sflag:$0x2] =	stream.linear.gather [hbm4b:s4+s2], $0x200, $0x38;
	[tilespmem:$0x400] =	vst v63  }
0x8: {  	_ =	swait.ge [sflag:s3], $0x200  }
0x9: {  	s6 =	simm.s32 $0x80;
	[sflag:s3] =	ssyncset.done $0x0  }
0xa: {  	s7 =	simm.s32 $0x200;
	s5 =	sadd.s32 $0x8E00, s18;
	[sflag:s3] =	ssyncadd.s32 $0xFFFFFE00  }
0xb: {  	[tilespmem:s7], [sflag:$0x1] =	stream.indirect.gather [hbm4b:s5+s6], $0x1, s2, s6, $0xb8;
	[tilespmem:$0x400] =	vst v63  }
0xc: {  	s8 =	simm.s32 $0x280  }
0xd: {  	[tilespmem:s8], [sflag:$0x1] =	stream.indirect.gather [hbm4b:s5+s6], $0x1, s6, s6, $0xb8;
	[tilespmem:$0x400] =	vst v63  }
0xe: {  	s9 =	simm.s32 $0x100;
	s10 =	simm.s32 $0x300  }
0xf: {  	[tilespmem:s10], [sflag:$0x1] =	stream.indirect.gather [hbm4b:s5+s6], $0x1, s9, s6, $0xb8;
	[tilespmem:$0x400] =	vst v63  }
0x10: {  	s11 =	simm.s32 $0x180;
	s12 =	simm.s32 $0x380;
	s13 =	simm.s32 $0x1  }
0x11: {  	[tilespmem:s12], [sflag:$0x1] =	stream.indirect.gather [hbm4b:s5+s6], $0x1, s11, s6, $0xb8;
	[tilespmem:$0x400] =	vst v63  }
0x12: {  	_ =	swait.ge [sflag:s13], $0x80  }
0x13: {  	[sflag:s13] =	ssyncset.done $0x0  }
0x14: {  	[sflag:s13] =	ssyncadd.s32 $0xFFFFFF80  }
0x15: {  	_ =	swait.ge [sflag:s13], $0x80  }
0x16: {  	[sflag:s13] =	ssyncset.done $0x0  }
0x17: {  	[sflag:s13] =	ssyncadd.s32 $0xFFFFFF80  }
0x18: {  	_ =	swait.ge [sflag:s13], $0x80  }
0x19: {  	[sflag:s13] =	ssyncset.done $0x0  }
0x1a: {  	[sflag:s13] =	ssyncadd.s32 $0xFFFFFF80  }
0x1b: {  	_ =	swait.ge [sflag:s13], $0x80  }
0x1c: {  	[sflag:s13] =	ssyncset.done $0x0  }
0x1d: {  	s14 =	sadd.s32 s14, s15;
	[sflag:s13] =	ssyncadd.s32 $0xFFFFFF80  }
0x1e: {  	[hbm4b:s14+s2] =	stream.linear.scatter [tilespmem:s7], [sflag:$0x2], $0x200, $0x38;
	[tilespmem:$0x400] =	vst v63  }
0x1f: {  	_ =	swait.ge [sflag:s3], $0x200  }
0x20: {  	[sflag:s3] =	ssyncset.done $0x0  }
0x21: {  	s15 =	sadd.s32 $0x5E00, s20;
	[sflag:s3] =	ssyncadd.s32 $0xFFFFFE00  }
0x22: {  	[tilespmem:s2], [sflag:$0x2] =	stream.linear.gather [hbm4b:s15+s2], $0x200, $0x38;
	[tilespmem:$0x400] =	vst v63  }
0x23: {  	_ =	swait.ge [sflag:s3], $0x200  }
0x24: {  	[sflag:s3] =	ssyncset.done $0x0  }
0x25: {  	[sflag:s3] =	ssyncadd.s32 $0xFFFFFE00  }
0x26: {  	[tilespmem:s7], [sflag:$0x1] =	stream.indirect.gather [hbm4b:s5+s6], $0x1, s2, s6, $0xb8;
	[tilespmem:$0x400] =	vst v63  }
0x27: {  	_ = 	snop  }
0x28: {  	[tilespmem:s8], [sflag:$0x1] =	stream.indirect.gather [hbm4b:s5+s6], $0x1, s6, s6, $0xb8;
	[tilespmem:$0x400] =	vst v63  }
0x29: {  	_ = 	snop  }
0x2a: {  	[tilespmem:s10], [sflag:$0x1] =	stream.indirect.gather [hbm4b:s5+s6], $0x1, s9, s6, $0xb8;
	[tilespmem:$0x400] =	vst v63  }
0x2b: {  	_ = 	snop  }
0x2c: {  	[tilespmem:s12], [sflag:$0x1] =	stream.indirect.gather [hbm4b:s5+s6], $0x1, s11, s6, $0xb8;
	[tilespmem:$0x400] =	vst v63  }
0x2d: {  	_ =	swait.ge [sflag:s13], $0x80  }
0x2e: {  	[sflag:s13] =	ssyncset.done $0x0  }
0x2f: {  	[sflag:s13] =	ssyncadd.s32 $0xFFFFFF80  }
0x30: {  	_ =	swait.ge [sflag:s13], $0x80  }
0x31: {  	[sflag:s13] =	ssyncset.done $0x0  }
0x32: {  	[sflag:s13] =	ssyncadd.s32 $0xFFFFFF80  }
0x33: {  	_ =	swait.ge [sflag:s13], $0x80  }
0x34: {  	[sflag:s13] =	ssyncset.done $0x0  }
0x35: {  	[sflag:s13] =	ssyncadd.s32 $0xFFFFFF80  }
0x36: {  	_ =	swait.ge [sflag:s13], $0x80  }
0x37: {  	[sflag:s13] =	ssyncset.done $0x0  }
0x38: {  	s16 =	sadd.s32 $0x800, s14;
	[sflag:s13] =	ssyncadd.s32 $0xFFFFFF80  }
0x39: {  	[hbm4b:s16+s2] =	stream.linear.scatter [tilespmem:s7], [sflag:$0x2], $0x200, $0x38;
	[tilespmem:$0x400] =	vst v63  }
0x3a: {  	_ =	swait.ge [sflag:s3], $0x200  }
0x3b: {  	[sflag:s3] =	ssyncset.done $0x0  }
0x3c: {  	s17 =	sadd.s32 $0x7E00, s20;
	[sflag:s3] =	ssyncadd.s32 $0xFFFFFE00  }
0x3d: {  	[tilespmem:s2], [sflag:$0x2] =	stream.linear.gather [hbm4b:s17+s2], $0x200, $0x38;
	[tilespmem:$0x400] =	vst v63  }
0x3e: {  	_ =	swait.ge [sflag:s3], $0x200  }
0x3f: {  	[sflag:s3] =	ssyncset.done $0x0  }
0x40: {  	s18 =	sadd.s32 $0xBEE0, s18;
	[sflag:s3] =	ssyncadd.s32 $0xFFFFFE00  }
0x41: {  	[tilespmem:s7], [sflag:$0x1] =	stream.indirect.gather [hbm4b:s18+s6], $0x1, s2, s6, $0xb8;
	[tilespmem:$0x400] =	vst v63  }
0x42: {  	_ = 	snop  }
0x43: {  	[tilespmem:s8], [sflag:$0x1] =	stream.indirect.gather [hbm4b:s18+s6], $0x1, s6, s6, $0xb8;
	[tilespmem:$0x400] =	vst v63  }
0x44: {  	_ = 	snop  }
0x45: {  	[tilespmem:s10], [sflag:$0x1] =	stream.indirect.gather [hbm4b:s18+s6], $0x1, s9, s6, $0xb8;
	[tilespmem:$0x400] =	vst v63  }
0x46: {  	_ = 	snop  }
0x47: {  	[tilespmem:s12], [sflag:$0x1] =	stream.indirect.gather [hbm4b:s18+s6], $0x1, s11, s6, $0xb8;
	[tilespmem:$0x400] =	vst v63  }
0x48: {  	_ =	swait.ge [sflag:s13], $0x80  }
0x49: {  	[sflag:s13] =	ssyncset.done $0x0  }
0x4a: {  	[sflag:s13] =	ssyncadd.s32 $0xFFFFFF80  }
0x4b: {  	_ =	swait.ge [sflag:s13], $0x80  }
0x4c: {  	[sflag:s13] =	ssyncset.done $0x0  }
0x4d: {  	[sflag:s13] =	ssyncadd.s32 $0xFFFFFF80  }
0x4e: {  	_ =	swait.ge [sflag:s13], $0x80  }
0x4f: {  	[sflag:s13] =	ssyncset.done $0x0  }
0x50: {  	[sflag:s13] =	ssyncadd.s32 $0xFFFFFF80  }
0x51: {  	_ =	swait.ge [sflag:s13], $0x80  }
0x52: {  	[sflag:s13] =	ssyncset.done $0x0  }
0x53: {  	s19 =	sadd.s32 $0x1000, s14;
	[sflag:s13] =	ssyncadd.s32 $0xFFFFFF80  }
0x54: {  	[hbm4b:s19+s2] =	stream.linear.scatter [tilespmem:s7], [sflag:$0x2], $0x200, $0x38;
	[tilespmem:$0x400] =	vst v63  }
0x55: {  	_ =	swait.ge [sflag:s3], $0x200  }
0x56: {  	[sflag:s3] =	ssyncset.done $0x0  }
0x57: {  	s20 =	sadd.s32 $0x7600, s20;
	[sflag:s3] =	ssyncadd.s32 $0xFFFFFE00  }
0x58: {  	[tilespmem:s2], [sflag:$0x2] =	stream.linear.gather [hbm4b:s20+s2], $0x200, $0x38;
	[tilespmem:$0x400] =	vst v63  }
0x59: {  	_ =	swait.ge [sflag:s3], $0x200  }
0x5a: {  	[sflag:s3] =	ssyncset.done $0x0  }
0x5b: {  	[sflag:s3] =	ssyncadd.s32 $0xFFFFFE00  }
0x5c: {  	[tilespmem:s7], [sflag:$0x1] =	stream.indirect.gather [hbm4b:s18+s6], $0x1, s2, s6, $0xb8;
	[tilespmem:$0x400] =	vst v63  }
0x5d: {  	_ = 	snop  }
0x5e: {  	[tilespmem:s8], [sflag:$0x1] =	stream.indirect.gather [hbm4b:s18+s6], $0x1, s6, s6, $0xb8;
	[tilespmem:$0x400] =	vst v63  }
0x5f: {  	_ = 	snop  }
0x60: {  	[tilespmem:s10], [sflag:$0x1] =	stream.indirect.gather [hbm4b:s18+s6], $0x1, s9, s6, $0xb8;
	[tilespmem:$0x400] =	vst v63  }
0x61: {  	_ = 	snop  }
0x62: {  	[tilespmem:s12], [sflag:$0x1] =	stream.indirect.gather [hbm4b:s18+s6], $0x1, s11, s6, $0xb8;
	[tilespmem:$0x400] =	vst v63  }
0x63: {  	_ =	swait.ge [sflag:s13], $0x80  }
0x64: {  	[sflag:s13] =	ssyncset.done $0x0  }
0x65: {  	[sflag:s13] =	ssyncadd.s32 $0xFFFFFF80  }
0x66: {  	_ =	swait.ge [sflag:s13], $0x80  }
0x67: {  	[sflag:s13] =	ssyncset.done $0x0  }
0x68: {  	s21 =	ssub.s32 $0x2, s21;
	[sflag:s13] =	ssyncadd.s32 $0xFFFFFF80  }
0x69: {  	s22 =	sshrl.u32 s21, $0x1;
	_ =	swait.ge [sflag:s13], $0x80  }
0x6a: {  	s22 =	ssub.s32 s21, s22;
	[sflag:s13] =	ssyncset.done $0x0  }
0x6b: {  	s22 =	smax.u32 s22, $0x1;
	[sflag:s13] =	ssyncadd.s32 $0xFFFFFF80  }
0x6c: {  	p0 =	sne.s32 s22, $0x1;
	_ =	swait.ge [sflag:s13], $0x80  }
.Ltmp0:
0x6d: {  	[sflag:s13] =	ssyncset.done $0x0;
	(pc) =	sbr.rel @!p0 .LBB2_2-.Ltmp0, $4  }
0x6e: {  	s21 =	sadd.s32 $0x1800, s14;
	[sflag:s13] =	ssyncadd.s32 $0xFFFFFF80  }
0x6f: {  	[hbm4b:s21+s2] =	stream.linear.scatter [tilespmem:s7], [sflag:$0x2], $0x200, $0x38;
	[tilespmem:$0x400] =	vst v63  }
0x70: {  	_ =	swait.ge [sflag:s3], $0x200  }
0x71: {  	s22 =	sadd.s32 $0xFFFFFFFF, s22;
	[sflag:s3] =	ssyncset.done $0x0  }
.LBB2_1:
0x72: {  	p0 =	sne.s32 s22, $0x1;
	s22 =	sadd.s32 $0xFFFFFFFF, s22;
	[sflag:s3] =	ssyncadd.s32 $0xFFFFFE00  }
0x73: {  	[tilespmem:s2], [sflag:$0x2] =	stream.linear.gather [hbm4b:s4+s2], $0x200, $0x38;
	[tilespmem:$0x400] =	vst v63  }
0x74: {  	_ =	swait.ge [sflag:s3], $0x200  }
0x75: {  	[sflag:s3] =	ssyncset.done $0x0  }
0x76: {  	[sflag:s3] =	ssyncadd.s32 $0xFFFFFE00  }
0x77: {  	[tilespmem:s7], [sflag:$0x1] =	stream.indirect.gather [hbm4b:s5+s6], $0x1, s2, s6, $0xb8;
	[tilespmem:$0x400] =	vst v63  }
0x78: {  	_ = 	snop  }
0x79: {  	[tilespmem:s8], [sflag:$0x1] =	stream.indirect.gather [hbm4b:s5+s6], $0x1, s6, s6, $0xb8;
	[tilespmem:$0x400] =	vst v63  }
0x7a: {  	_ = 	snop  }
0x7b: {  	[tilespmem:s10], [sflag:$0x1] =	stream.indirect.gather [hbm4b:s5+s6], $0x1, s9, s6, $0xb8;
	[tilespmem:$0x400] =	vst v63  }
0x7c: {  	_ = 	snop  }
0x7d: {  	[tilespmem:s12], [sflag:$0x1] =	stream.indirect.gather [hbm4b:s5+s6], $0x1, s11, s6, $0xb8;
	[tilespmem:$0x400] =	vst v63  }
0x7e: {  	_ =	swait.ge [sflag:s13], $0x80  }
0x7f: {  	[sflag:s13] =	ssyncset.done $0x0  }
0x80: {  	[sflag:s13] =	ssyncadd.s32 $0xFFFFFF80  }
0x81: {  	_ =	swait.ge [sflag:s13], $0x80  }
0x82: {  	[sflag:s13] =	ssyncset.done $0x0  }
0x83: {  	[sflag:s13] =	ssyncadd.s32 $0xFFFFFF80  }
0x84: {  	_ =	swait.ge [sflag:s13], $0x80  }
0x85: {  	[sflag:s13] =	ssyncset.done $0x0  }
0x86: {  	[sflag:s13] =	ssyncadd.s32 $0xFFFFFF80  }
0x87: {  	_ =	swait.ge [sflag:s13], $0x80  }
0x88: {  	[sflag:s13] =	ssyncset.done $0x0  }
0x89: {  	[sflag:s13] =	ssyncadd.s32 $0xFFFFFF80  }
0x8a: {  	[hbm4b:s14+s2] =	stream.linear.scatter [tilespmem:s7], [sflag:$0x2], $0x200, $0x38;
	[tilespmem:$0x400] =	vst v63  }
0x8b: {  	_ =	swait.ge [sflag:s3], $0x200  }
0x8c: {  	[sflag:s3] =	ssyncset.done $0x0  }
0x8d: {  	[sflag:s3] =	ssyncadd.s32 $0xFFFFFE00  }
0x8e: {  	[tilespmem:s2], [sflag:$0x2] =	stream.linear.gather [hbm4b:s15+s2], $0x200, $0x38;
	[tilespmem:$0x400] =	vst v63  }
0x8f: {  	_ =	swait.ge [sflag:s3], $0x200  }
0x90: {  	[sflag:s3] =	ssyncset.done $0x0  }
0x91: {  	[sflag:s3] =	ssyncadd.s32 $0xFFFFFE00  }
0x92: {  	[tilespmem:s7], [sflag:$0x1] =	stream.indirect.gather [hbm4b:s5+s6], $0x1, s2, s6, $0xb8;
	[tilespmem:$0x400] =	vst v63  }
0x93: {  	_ = 	snop  }
0x94: {  	[tilespmem:s8], [sflag:$0x1] =	stream.indirect.gather [hbm4b:s5+s6], $0x1, s6, s6, $0xb8;
	[tilespmem:$0x400] =	vst v63  }
0x95: {  	_ = 	snop  }
0x96: {  	[tilespmem:s10], [sflag:$0x1] =	stream.indirect.gather [hbm4b:s5+s6], $0x1, s9, s6, $0xb8;
	[tilespmem:$0x400] =	vst v63  }
0x97: {  	_ = 	snop  }
0x98: {  	[tilespmem:s12], [sflag:$0x1] =	stream.indirect.gather [hbm4b:s5+s6], $0x1, s11, s6, $0xb8;
	[tilespmem:$0x400] =	vst v63  }
0x99: {  	_ =	swait.ge [sflag:s13], $0x80  }
0x9a: {  	[sflag:s13] =	ssyncset.done $0x0  }
0x9b: {  	[sflag:s13] =	ssyncadd.s32 $0xFFFFFF80  }
0x9c: {  	_ =	swait.ge [sflag:s13], $0x80  }
0x9d: {  	[sflag:s13] =	ssyncset.done $0x0  }
0x9e: {  	[sflag:s13] =	ssyncadd.s32 $0xFFFFFF80  }
0x9f: {  	_ =	swait.ge [sflag:s13], $0x80  }
0xa0: {  	[sflag:s13] =	ssyncset.done $0x0  }
0xa1: {  	[sflag:s13] =	ssyncadd.s32 $0xFFFFFF80  }
0xa2: {  	_ =	swait.ge [sflag:s13], $0x80  }
0xa3: {  	[sflag:s13] =	ssyncset.done $0x0  }
0xa4: {  	[sflag:s13] =	ssyncadd.s32 $0xFFFFFF80  }
0xa5: {  	[hbm4b:s16+s2] =	stream.linear.scatter [tilespmem:s7], [sflag:$0x2], $0x200, $0x38;
	[tilespmem:$0x400] =	vst v63  }
0xa6: {  	_ =	swait.ge [sflag:s3], $0x200  }
0xa7: {  	[sflag:s3] =	ssyncset.done $0x0  }
0xa8: {  	[sflag:s3] =	ssyncadd.s32 $0xFFFFFE00  }
0xa9: {  	[tilespmem:s2], [sflag:$0x2] =	stream.linear.gather [hbm4b:s17+s2], $0x200, $0x38;
	[tilespmem:$0x400] =	vst v63  }
0xaa: {  	_ =	swait.ge [sflag:s3], $0x200  }
0xab: {  	[sflag:s3] =	ssyncset.done $0x0  }
0xac: {  	[sflag:s3] =	ssyncadd.s32 $0xFFFFFE00  }
0xad: {  	[tilespmem:s7], [sflag:$0x1] =	stream.indirect.gather [hbm4b:s18+s6], $0x1, s2, s6, $0xb8;
	[tilespmem:$0x400] =	vst v63  }
0xae: {  	_ = 	snop  }
0xaf: {  	[tilespmem:s8], [sflag:$0x1] =	stream.indirect.gather [hbm4b:s18+s6], $0x1, s6, s6, $0xb8;
	[tilespmem:$0x400] =	vst v63  }
0xb0: {  	_ = 	snop  }
0xb1: {  	[tilespmem:s10], [sflag:$0x1] =	stream.indirect.gather [hbm4b:s18+s6], $0x1, s9, s6, $0xb8;
	[tilespmem:$0x400] =	vst v63  }
0xb2: {  	_ = 	snop  }
0xb3: {  	[tilespmem:s12], [sflag:$0x1] =	stream.indirect.gather [hbm4b:s18+s6], $0x1, s11, s6, $0xb8;
	[tilespmem:$0x400] =	vst v63  }
0xb4: {  	_ =	swait.ge [sflag:s13], $0x80  }
0xb5: {  	[sflag:s13] =	ssyncset.done $0x0  }
0xb6: {  	[sflag:s13] =	ssyncadd.s32 $0xFFFFFF80  }
0xb7: {  	_ =	swait.ge [sflag:s13], $0x80  }
0xb8: {  	[sflag:s13] =	ssyncset.done $0x0  }
0xb9: {  	[sflag:s13] =	ssyncadd.s32 $0xFFFFFF80  }
0xba: {  	_ =	swait.ge [sflag:s13], $0x80  }
0xbb: {  	[sflag:s13] =	ssyncset.done $0x0  }
0xbc: {  	[sflag:s13] =	ssyncadd.s32 $0xFFFFFF80  }
0xbd: {  	_ =	swait.ge [sflag:s13], $0x80  }
0xbe: {  	[sflag:s13] =	ssyncset.done $0x0  }
0xbf: {  	[sflag:s13] =	ssyncadd.s32 $0xFFFFFF80  }
0xc0: {  	[hbm4b:s19+s2] =	stream.linear.scatter [tilespmem:s7], [sflag:$0x2], $0x200, $0x38;
	[tilespmem:$0x400] =	vst v63  }
0xc1: {  	_ =	swait.ge [sflag:s3], $0x200  }
0xc2: {  	[sflag:s3] =	ssyncset.done $0x0  }
0xc3: {  	[sflag:s3] =	ssyncadd.s32 $0xFFFFFE00  }
0xc4: {  	[tilespmem:s2], [sflag:$0x2] =	stream.linear.gather [hbm4b:s20+s2], $0x200, $0x38;
	[tilespmem:$0x400] =	vst v63  }
0xc5: {  	_ =	swait.ge [sflag:s3], $0x200  }
0xc6: {  	[sflag:s3] =	ssyncset.done $0x0  }
0xc7: {  	[sflag:s3] =	ssyncadd.s32 $0xFFFFFE00  }
0xc8: {  	[tilespmem:s7], [sflag:$0x1] =	stream.indirect.gather [hbm4b:s18+s6], $0x1, s2, s6, $0xb8;
	[tilespmem:$0x400] =	vst v63  }
0xc9: {  	_ = 	snop  }
0xca: {  	[tilespmem:s8], [sflag:$0x1] =	stream.indirect.gather [hbm4b:s18+s6], $0x1, s6, s6, $0xb8;
	[tilespmem:$0x400] =	vst v63  }
0xcb: {  	_ = 	snop  }
0xcc: {  	[tilespmem:s10], [sflag:$0x1] =	stream.indirect.gather [hbm4b:s18+s6], $0x1, s9, s6, $0xb8;
	[tilespmem:$0x400] =	vst v63  }
0xcd: {  	_ = 	snop  }
0xce: {  	[tilespmem:s12], [sflag:$0x1] =	stream.indirect.gather [hbm4b:s18+s6], $0x1, s11, s6, $0xb8;
	[tilespmem:$0x400] =	vst v63  }
0xcf: {  	_ =	swait.ge [sflag:s13], $0x80  }
0xd0: {  	[sflag:s13] =	ssyncset.done $0x0  }
0xd1: {  	[sflag:s13] =	ssyncadd.s32 $0xFFFFFF80  }
0xd2: {  	_ =	swait.ge [sflag:s13], $0x80  }
0xd3: {  	[sflag:s13] =	ssyncset.done $0x0  }
0xd4: {  	[sflag:s13] =	ssyncadd.s32 $0xFFFFFF80  }
0xd5: {  	_ =	swait.ge [sflag:s13], $0x80  }
0xd6: {  	[sflag:s13] =	ssyncset.done $0x0  }
0xd7: {  	[sflag:s13] =	ssyncadd.s32 $0xFFFFFF80  }
0xd8: {  	_ =	swait.ge [sflag:s13], $0x80  }
.Ltmp1:
0xd9: {  	[sflag:s13] =	ssyncset.done $0x0;
	(pc) =	sbr.rel @p0 .LBB2_1-.Ltmp1, $4  }
0xda: {  	[sflag:s13] =	ssyncadd.s32 $0xFFFFFF80  }
0xdb: {  	[hbm4b:s21+s2] =	stream.linear.scatter [tilespmem:s7], [sflag:$0x2], $0x200, $0x38;
	[tilespmem:$0x400] =	vst v63  }
0xdc: {  	_ =	swait.ge [sflag:s3], $0x200  }
0xdd: {  	[sflag:s3] =	ssyncset.done $0x0  }
.LBB2_2:
0xde: {  	[sflag:s3] =	ssyncadd.s32 $0xFFFFFE00  }
0xdf: {  	_ =	sfence.sel $0x180000  }
0xe0: {  	[bflag:$0x0] =	sbarrier.arrive $0xFFFF  }
0xe1: {  	p0 =	sne.s32 s0, $0x0;
	_ =	strace $0x90000047  }
0xe2: {  	s0 =	sadd.s32 @!p0 $0x100000, s1;
	[bflag:$0x2] =	sbarrier.arrive $0xFFFF  }
0xe3: {  	[sflag:s0] =	ssyncadd.tile.s32 @!p0 $0x1;
	_ =	shalt  }
.Lfunc_end2:
_tile_overlayer_lowered:
.L_overlay_start_2:
0xe4: {  	(tag) =	ssettag $0x2  }
0xe5: {  	s0 =	rddreg [dreg:$0x0];
	s2 =	stileid.u32  }
0xe6: {  	s1 =	rddreg [dreg:$0x1];
	p0 =	sne.s32 s2, $0x0  }
0xe7: {  	s3 =	rddreg [dreg:$0x2];
	[bflag:$0x3] =	sbarrier.arrive $0xFFFF;
	s2 =	simm.s32 @!p0 $0x1C02  }
0xe8: {  	[timem:s3], [sflag:s2] =	dma.local @!p0 [hbm:s0], s1  }
0xe9: {  	s0 =	simm.s32 @!p0 $0x2  }
0xea: {  	_ =	swait.ge @!p0 [sflag:s0], s1  }
0xeb: {  	s1 =	ssub.s32 @!p0 $0x0, s1;
	[sflag:s0] =	ssyncset.done @!p0 $0x0  }
0xec: {  	[sflag:s0] =	ssyncadd.s32 @!p0 s1  }
0xed: {  	[bflag:$0x3] =	sbarrier.arrive $0xFFFF  }
0xee: {  	_ =	shalt  }

</sc_bundles>
